<compile_context>
chip_gen: v7x
topology: tpu7x:2x2x1
jax: 0.10.2.dev20260603
libtpu: 0.0.44.dev20260713+nightly
codegen_flags: <defaults>
</compile_context>

<pallas_src>
import functools

import jax
import jax.numpy as jnp
from jax import lax
from jax.experimental import pallas as pl
from jax.experimental.pallas import tpu as pltpu
from jax.experimental.pallas import tpu_sc as plsc

B = 1024
CIN = 128
L = 256
D = 64
K = 8192
BETA = 0.25

BT = 32
BTV = 128
HB = 512


def _lrelu(h):
    return jnp.where(h >= 0, h, 0.001 * h)


def _encoder_kernel(x_ref, w1_ref, b1_ref, w2_ref, b2_ref, w3_ref, b3_ref, z_ref):
    xt = jnp.transpose(x_ref[...], (0, 2, 1))
    xm = xt.reshape(BT * L, CIN)
    h1 = jax.lax.dot_general(
        xm, w1_ref[...], (((1,), (1,)), ((), ())),
        preferred_element_type=jnp.float32)
    h1 = _lrelu(h1 + b1_ref[...])
    h2 = jax.lax.dot_general(
        h1, w2_ref[...], (((1,), (1,)), ((), ())),
        preferred_element_type=jnp.float32)
    h2 = _lrelu(h2 + b2_ref[...])
    h3 = jax.lax.dot_general(
        h2, w3_ref[...], (((1,), (1,)), ((), ())),
        preferred_element_type=jnp.float32)
    h3 = h3 + b3_ref[...]
    z_ref[...] = jnp.max(h3.reshape(BT, L, D), axis=1)


def _encode_part(x, ew1, eb1, ew2, eb2, ew3, eb3, off):
    nb = HB // BT
    return pl.pallas_call(
        _encoder_kernel,
        grid=(nb,),
        in_specs=[
            pl.BlockSpec((BT, CIN, L), lambda i: (i + off // BT, 0, 0)),
            pl.BlockSpec((64, CIN), lambda i: (0, 0)),
            pl.BlockSpec((1, 64), lambda i: (0, 0)),
            pl.BlockSpec((128, 64), lambda i: (0, 0)),
            pl.BlockSpec((1, 128), lambda i: (0, 0)),
            pl.BlockSpec((D, 128), lambda i: (0, 0)),
            pl.BlockSpec((1, D), lambda i: (0, 0)),
        ],
        out_specs=pl.BlockSpec((BT, D), lambda i: (i, 0)),
        out_shape=jax.ShapeDtypeStruct((HB, D), jnp.float32),
    )(x, ew1, eb1.reshape(1, 64), ew2, eb2.reshape(1, 128), ew3, eb3.reshape(1, D))


def _vq_kernel(z_ref, zn_ref, cn_ref, cb_ref, idx_ref):
    c = jax.lax.dot_general(
        z_ref[...], cb_ref[...], (((1,), (1,)), ((), ())),
        preferred_element_type=jnp.float32)
    dmat = (zn_ref[...] + cn_ref[...]) - 2.0 * c
    m = jnp.min(dmat, axis=1, keepdims=True)
    io = lax.broadcasted_iota(jnp.int32, (BTV, K), 1)
    first = jnp.min(jnp.where(dmat == m, io, K), axis=1)
    idx_ref[0, 0, :] = first


def _vq_argmin(z, zn, cn, codebook):
    nb = HB // BTV
    out = pl.pallas_call(
        _vq_kernel,
        grid=(nb,),
        in_specs=[
            pl.BlockSpec((BTV, D), lambda i: (i, 0)),
            pl.BlockSpec((BTV, 1), lambda i: (i, 0)),
            pl.BlockSpec((1, K), lambda i: (0, 0)),
            pl.BlockSpec((K, D), lambda i: (0, 0)),
        ],
        out_specs=pl.BlockSpec((1, 1, BTV), lambda i: (i, 0, 0)),
        out_shape=jax.ShapeDtypeStruct((nb, 1, BTV), jnp.int32),
    )(z, zn, cn, codebook)
    return out.reshape(HB)


def _sc_gather(table, idx):
    try:
        info = plsc.get_sparse_core_info()
        nc, ns = info.num_cores, info.num_subcores
    except Exception:
        nc, ns = 2, 16
    nw = nc * ns
    b_per_w = HB // nw
    dpad = 128
    mesh = plsc.VectorSubcoreMesh(core_axis_name="c", subcore_axis_name="s")
    nchunk = 2
    rpc = b_per_w // nchunk

    @functools.partial(
        pl.kernel, mesh=mesh,
        out_type=jax.ShapeDtypeStruct((HB, dpad), jnp.float32),
        scratch_types=[
            pltpu.VMEM((b_per_w,), jnp.int32),
            pltpu.VMEM((b_per_w, dpad), jnp.float32),
            pltpu.SemaphoreType.DMA,
        ],
    )
    def gk(table_hbm, idx_hbm, out_hbm, idx_v, rows_v, sem):
        wid = lax.axis_index("s") * nc + lax.axis_index("c")
        base = wid * b_per_w
        pltpu.sync_copy(idx_hbm.at[pl.ds(base, b_per_w)], idx_v)
        handles = [
            pltpu.async_copy(
                table_hbm.at[idx_v.at[pl.ds(c * rpc, rpc)]],
                rows_v.at[pl.ds(c * rpc, rpc)],
                sem)
            for c in range(nchunk)]
        for h in handles:
            h.wait()
        pltpu.sync_copy(rows_v, out_hbm.at[pl.ds(base, b_per_w)])

    return gk(table, idx)


def _decoder_kernel(z1_ref, z2_ref, zq1_ref, zq2_ref, w1_ref, b1_ref, w2_ref,
                    b2_ref, w3_ref, b3_ref, xr_ref, loss_ref):
    z = jnp.concatenate([z1_ref[...], z2_ref[...]], axis=0)
    zq = jnp.concatenate([zq1_ref[:, :D], zq2_ref[:, :D]], axis=0)
    diff = zq - z
    m = jnp.sum(diff * diff) * (1.0 / (B * D))
    loss_ref[...] = jnp.reshape(m + BETA * m, (1, 1))
    zst = z + diff
    h1 = jax.lax.dot_general(
        zst, w1_ref[...], (((1,), (0,)), ((), ())),
        preferred_element_type=jnp.float32)
    h1 = _lrelu(h1 + b1_ref[...])
    h2 = jax.lax.dot_general(
        h1, w2_ref[...], (((1,), (0,)), ((), ())),
        preferred_element_type=jnp.float32)
    h2 = _lrelu(h2 + b2_ref[...])
    xr = jax.lax.dot_general(
        h2, w3_ref[...], (((1,), (0,)), ((), ())),
        preferred_element_type=jnp.float32)
    xr_ref[...] = xr + b3_ref[...]


def _decode(z1, z2, zq1, zq2, dw1, db1, dw2, db2, dw3, db3):
    xr, loss = pl.pallas_call(
        _decoder_kernel,
        grid=(1,),
        in_specs=[
            pl.BlockSpec((HB, D), lambda i: (0, 0)),
            pl.BlockSpec((HB, D), lambda i: (0, 0)),
            pl.BlockSpec((HB, 128), lambda i: (0, 0)),
            pl.BlockSpec((HB, 128), lambda i: (0, 0)),
            pl.BlockSpec((D, 128), lambda i: (0, 0)),
            pl.BlockSpec((1, 128), lambda i: (0, 0)),
            pl.BlockSpec((128, 64), lambda i: (0, 0)),
            pl.BlockSpec((1, 64), lambda i: (0, 0)),
            pl.BlockSpec((64, CIN), lambda i: (0, 0)),
            pl.BlockSpec((1, CIN), lambda i: (0, 0)),
        ],
        out_specs=[
            pl.BlockSpec((B, CIN), lambda i: (0, 0)),
            pl.BlockSpec((1, 1), lambda i: (0, 0)),
        ],
        out_shape=[
            jax.ShapeDtypeStruct((B, CIN), jnp.float32),
            jax.ShapeDtypeStruct((1, 1), jnp.float32),
        ],
    )(z1, z2, zq1, zq2, dw1, db1.reshape(1, 128), dw2, db2.reshape(1, 64),
      dw3, db3.reshape(1, CIN))
    return xr, loss


def kernel(x, ew1, eb1, ew2, eb2, ew3, eb3, codebook, dw1, db1, dw2, db2, dw3, db3):
    cn = jnp.sum(codebook ** 2, axis=1).reshape(1, K)
    table = jnp.concatenate(
        [codebook, jnp.zeros((K, 128 - D), jnp.float32)], axis=1)
    z1 = _encode_part(x, ew1, eb1, ew2, eb2, ew3, eb3, 0)
    zn1 = jnp.sum(z1 ** 2, axis=1, keepdims=True)
    idx1 = _vq_argmin(z1, zn1, cn, codebook)
    zq1 = _sc_gather(table, idx1)
    z2 = _encode_part(x, ew1, eb1, ew2, eb2, ew3, eb3, HB)
    zn2 = jnp.sum(z2 ** 2, axis=1, keepdims=True)
    idx2 = _vq_argmin(z2, zn2, cn, codebook)
    zq2 = _sc_gather(table, idx2)
    xr, loss = _decode(z1, z2, zq1, zq2, dw1, db1, dw2, db2, dw3, db3)
    z = jnp.concatenate([z1, z2], axis=0)
    return (xr.reshape(B, CIN, 1), loss.reshape(()), z, D)

# --- scband reference (transcript-rebuilt; emitter-appended) ---
"""Pipeline reference for scband-vqvae-24885040513214 (READ-ONLY COPY).

The authoritative reference and input builder live on the scoring server;
editing this copy changes nothing except your own understanding.
"""

import jax, jax.numpy as jnp
import numpy as np

B = 1024
CIN = 128
L = 256
D = 64
K = 8192
BETA = 0.25


def _lrelu(h):
    return jnp.where(h >= 0, h, 0.001 * h)


def setup_inputs(seed: int = 0) -> dict:
    key = jax.random.key(seed)
    ks = jax.random.split(key, 10)
    x = jax.random.normal(ks[0], (B, CIN, L), dtype=jnp.float32)
    ew1 = jax.random.normal(ks[1], (64, CIN), dtype=jnp.float32) * 0.05
    eb1 = jnp.zeros((64,), jnp.float32)
    ew2 = jax.random.normal(ks[2], (128, 64), dtype=jnp.float32) * 0.05
    eb2 = jnp.zeros((128,), jnp.float32)
    ew3 = jax.random.normal(ks[3], (D, 128), dtype=jnp.float32) * 0.05
    eb3 = jnp.zeros((D,), jnp.float32)
    codebook = jax.random.uniform(ks[4], (K, D), dtype=jnp.float32, minval=-1.0 / K, maxval=1.0 / K)
    dw1 = jax.random.normal(ks[5], (D, 128), dtype=jnp.float32) * 0.05
    db1 = jnp.zeros((128,), jnp.float32)
    dw2 = jax.random.normal(ks[6], (128, 64), dtype=jnp.float32) * 0.05
    db2 = jnp.zeros((64,), jnp.float32)
    dw3 = jax.random.normal(ks[7], (64, CIN), dtype=jnp.float32) * 0.05
    db3 = jnp.zeros((CIN,), jnp.float32)
    return {"x": x, "ew1": ew1, "eb1": eb1, "ew2": ew2, "eb2": eb2, "ew3": ew3, "eb3": eb3,
            "codebook": codebook, "dw1": dw1, "db1": db1, "dw2": dw2, "db2": db2, "dw3": dw3, "db3": db3}


def reference(x, ew1, eb1, ew2, eb2, ew3, eb3, codebook, dw1, db1, dw2, db2, dw3, db3):
    # encoder: pointwise (kernel_size=1) Conv1d stack + AdaptiveMaxPool1d(1)
    h = _lrelu(jnp.einsum('bcl,oc->bol', x, ew1) + eb1[None, :, None])
    h = _lrelu(jnp.einsum('bcl,oc->bol', h, ew2) + eb2[None, :, None])
    h = jnp.einsum('bcl,oc->bol', h, ew3) + eb3[None, :, None]
    z = jnp.max(h, axis=2)  # squeeze(-1) after adaptive max pool -> [B, D]
    # vector quantizer
    d = jnp.sum(z ** 2, axis=1, keepdims=True) + jnp.sum(codebook ** 2, axis=1)[None, :] - 2.0 * (z @ codebook.T)
    idx = jnp.argmin(d, axis=1)
    zq = jnp.take(codebook, idx, axis=0)
    loss = jnp.mean((jax.lax.stop_gradient(zq) - z) ** 2) + BETA * jnp.mean((zq - jax.lax.stop_gradient(z)) ** 2)
    zq_st = z + jax.lax.stop_gradient(zq - z)  # straight-through
    # decoder: pointwise ConvTranspose1d stack on [B, D, 1]
    hq = zq_st[:, :, None]
    h = _lrelu(jnp.einsum('bil,io->bol', hq, dw1) + db1[None, :, None])
    h = _lrelu(jnp.einsum('bil,io->bol', h, dw2) + db2[None, :, None])
    x_recon = jnp.einsum('bil,io->bol', h, dw3) + db3[None, :, None]
    return (x_recon, loss, z, D)

if __name__ == "__main__":
    import jax
    _d = setup_inputs()
    print(jax.jit(kernel)(*tuple(_d.values())))

</pallas_src>

<mosaic_0001>
#map = affine_map<(d0, d1) -> (0, 0)>
#map1 = affine_map<(d0, d1) -> (0)>
module attributes {stable_mosaic.version = 14 : i64} {
  func.func @gk(%arg0: i32, %arg1: i32, %arg2: memref<8192x128xf32, #tpu.memory_space<hbm>>, %arg3: memref<512xi32, #tpu.memory_space<hbm>>, %arg4: memref<512x128xf32, #tpu.memory_space<hbm>>, %arg5: memref<16xi32, #tpu.memory_space<vmem>>, %arg6: memref<16x128xf32, #tpu.memory_space<vmem>>, %arg7: memref<!tpu.dma_semaphore, #tpu.memory_space<semaphore_mem>>) attributes {dimension_semantics = [#tpu.dimension_semantics<core_parallel>, #tpu.dimension_semantics<subcore_parallel>], iteration_bounds = array<i64: 2, 16>, scalar_prefetch = 0 : i64, scratch_operands = 3 : i64, tpu.core_type = #tpu.core_type<sc_vector_subcore>, window_params = [{transform_indices = #map}, {transform_indices = #map1}, {transform_indices = #map}]} {
    %mul3A = arith.constant 2 : i32
    %mul3A_0 = arith.muli %arg1, %mul3A : i32
    %add3A = arith.addi %mul3A_0, %arg0 : i32
    %mul3A_1 = arith.constant 16 : i32
    %mul3A_2 = arith.muli %add3A, %mul3A_1 : i32
    "tpu.region"() ({
      %run_scoped3A = tpu.sem_alloc : memref<!tpu.dma_semaphore, #tpu.memory_space<semaphore_mem>>
      %dma_start3A_33 = tpu.memref_slice %arg3[%mul3A_2] : memref<512xi32, #tpu.memory_space<hbm>> -> memref<16xi32, #tpu.memory_space<hbm>>
      %dma_start3A_34 = tpu.memref_slice %arg3[%mul3A_2] : memref<512xi32, #tpu.memory_space<hbm>> -> memref<16xi32, #tpu.memory_space<hbm>>
      tpu.enqueue_dma source(%dma_start3A_34 : memref<16xi32, #tpu.memory_space<hbm>>) target(%arg5 : memref<16xi32, #tpu.memory_space<vmem>>) target_semaphore(%run_scoped3A : memref<!tpu.dma_semaphore, #tpu.memory_space<semaphore_mem>>)
      %dma_wait3A_35 = tpu.memref_slice %arg3[%mul3A_2] : memref<512xi32, #tpu.memory_space<hbm>> -> memref<16xi32, #tpu.memory_space<hbm>>
      %dma_wait3A_36 = tpu.memref_slice %arg3[%mul3A_2] : memref<512xi32, #tpu.memory_space<hbm>> -> memref<16xi32, #tpu.memory_space<hbm>>
      tpu.wait_dma2 semaphore(%run_scoped3A : memref<!tpu.dma_semaphore, #tpu.memory_space<semaphore_mem>>) src(%dma_wait3A_36 : memref<16xi32, #tpu.memory_space<hbm>>) dst(%arg5 : memref<16xi32, #tpu.memory_space<vmem>>)
      tpu.yield
    }) : () -> ()
    %dma_start3A = arith.constant 0 : i32
    %dma_start3A_3 = arith.constant 0 : i32
    %dma_start3A_4 = tpu.memref_slice %arg6[%dma_start3A, %dma_start3A_3] : memref<16x128xf32, #tpu.memory_space<vmem>> -> memref<8x128xf32, #tpu.memory_space<vmem>>
    %dma_start3A_5 = arith.constant 0 : i32
    %dma_start3A_6 = tpu.memref_slice %arg5[%dma_start3A_5] : memref<16xi32, #tpu.memory_space<vmem>> -> memref<8xi32, #tpu.memory_space<vmem>>
    %dma_start3A_7 = arith.constant 0 : i32
    %dma_start3A_8 = arith.constant 0 : i32
    %dma_start3A_9 = tpu.memref_slice %arg2[%dma_start3A_7, %dma_start3A_8] : memref<8192x128xf32, #tpu.memory_space<hbm>> -> memref<8192x128xf32, #tpu.memory_space<hbm>>
    tpu.enqueue_indirect_dma source(%dma_start3A_9 : memref<8192x128xf32, #tpu.memory_space<hbm>>) target(%dma_start3A_4 : memref<8x128xf32, #tpu.memory_space<vmem>>) offsets(%dma_start3A_6 : memref<8xi32, #tpu.memory_space<vmem>>) semaphore(%arg7 : memref<!tpu.dma_semaphore, #tpu.memory_space<semaphore_mem>>)
    %dma_start3A_10 = arith.constant 8 : i32
    %dma_start3A_11 = arith.constant 0 : i32
    %dma_start3A_12 = tpu.memref_slice %arg6[%dma_start3A_10, %dma_start3A_11] : memref<16x128xf32, #tpu.memory_space<vmem>> -> memref<8x128xf32, #tpu.memory_space<vmem>>
    %dma_start3A_13 = arith.constant 8 : i32
    %dma_start3A_14 = tpu.memref_slice %arg5[%dma_start3A_13] : memref<16xi32, #tpu.memory_space<vmem>> -> memref<8xi32, #tpu.memory_space<vmem>>
    %dma_start3A_15 = arith.constant 0 : i32
    %dma_start3A_16 = arith.constant 0 : i32
    %dma_start3A_17 = tpu.memref_slice %arg2[%dma_start3A_15, %dma_start3A_16] : memref<8192x128xf32, #tpu.memory_space<hbm>> -> memref<8192x128xf32, #tpu.memory_space<hbm>>
    tpu.enqueue_indirect_dma source(%dma_start3A_17 : memref<8192x128xf32, #tpu.memory_space<hbm>>) target(%dma_start3A_12 : memref<8x128xf32, #tpu.memory_space<vmem>>) offsets(%dma_start3A_14 : memref<8xi32, #tpu.memory_space<vmem>>) semaphore(%arg7 : memref<!tpu.dma_semaphore, #tpu.memory_space<semaphore_mem>>)
    %dma_wait3A = arith.constant 0 : i32
    %dma_wait3A_18 = arith.constant 0 : i32
    %dma_wait3A_19 = tpu.memref_slice %arg6[%dma_wait3A, %dma_wait3A_18] : memref<16x128xf32, #tpu.memory_space<vmem>> -> memref<8x128xf32, #tpu.memory_space<vmem>>
    %dma_wait3A_20 = arith.constant 0 : i32
    %dma_wait3A_21 = tpu.memref_slice %arg5[%dma_wait3A_20] : memref<16xi32, #tpu.memory_space<vmem>> -> memref<8xi32, #tpu.memory_space<vmem>>
    %dma_wait3A_22 = arith.constant 0 : i32
    %dma_wait3A_23 = arith.constant 0 : i32
    %dma_wait3A_24 = tpu.memref_slice %arg2[%dma_wait3A_22, %dma_wait3A_23] : memref<8192x128xf32, #tpu.memory_space<hbm>> -> memref<8192x128xf32, #tpu.memory_space<hbm>>
    tpu.wait_indirect_dma semaphore(%arg7 : memref<!tpu.dma_semaphore, #tpu.memory_space<semaphore_mem>>) src(%dma_wait3A_24 : memref<8192x128xf32, #tpu.memory_space<hbm>>) dst(%dma_wait3A_19 : memref<8x128xf32, #tpu.memory_space<vmem>>)
    %dma_wait3A_25 = arith.constant 8 : i32
    %dma_wait3A_26 = arith.constant 0 : i32
    %dma_wait3A_27 = tpu.memref_slice %arg6[%dma_wait3A_25, %dma_wait3A_26] : memref<16x128xf32, #tpu.memory_space<vmem>> -> memref<8x128xf32, #tpu.memory_space<vmem>>
    %dma_wait3A_28 = arith.constant 8 : i32
    %dma_wait3A_29 = tpu.memref_slice %arg5[%dma_wait3A_28] : memref<16xi32, #tpu.memory_space<vmem>> -> memref<8xi32, #tpu.memory_space<vmem>>
    %dma_wait3A_30 = arith.constant 0 : i32
    %dma_wait3A_31 = arith.constant 0 : i32
    %dma_wait3A_32 = tpu.memref_slice %arg2[%dma_wait3A_30, %dma_wait3A_31] : memref<8192x128xf32, #tpu.memory_space<hbm>> -> memref<8192x128xf32, #tpu.memory_space<hbm>>
    tpu.wait_indirect_dma semaphore(%arg7 : memref<!tpu.dma_semaphore, #tpu.memory_space<semaphore_mem>>) src(%dma_wait3A_32 : memref<8192x128xf32, #tpu.memory_space<hbm>>) dst(%dma_wait3A_27 : memref<8x128xf32, #tpu.memory_space<vmem>>)
    "tpu.region"() ({
      %run_scoped3A = tpu.sem_alloc : memref<!tpu.dma_semaphore, #tpu.memory_space<semaphore_mem>>
      %dma_start3A_33 = arith.constant 0 : i32
      %dma_start3A_34 = tpu.memref_slice %arg4[%mul3A_2, %dma_start3A_33] : memref<512x128xf32, #tpu.memory_space<hbm>> -> memref<16x128xf32, #tpu.memory_space<hbm>>
      %dma_start3A_35 = arith.constant 0 : i32
      %dma_start3A_36 = tpu.memref_slice %arg4[%mul3A_2, %dma_start3A_35] : memref<512x128xf32, #tpu.memory_space<hbm>> -> memref<16x128xf32, #tpu.memory_space<hbm>>
      tpu.enqueue_dma source(%arg6 : memref<16x128xf32, #tpu.memory_space<vmem>>) target(%dma_start3A_36 : memref<16x128xf32, #tpu.memory_space<hbm>>) target_semaphore(%run_scoped3A : memref<!tpu.dma_semaphore, #tpu.memory_space<semaphore_mem>>)
      %dma_wait3A_37 = arith.constant 0 : i32
      %dma_wait3A_38 = tpu.memref_slice %arg4[%mul3A_2, %dma_wait3A_37] : memref<512x128xf32, #tpu.memory_space<hbm>> -> memref<16x128xf32, #tpu.memory_space<hbm>>
      %dma_wait3A_39 = arith.constant 0 : i32
      %dma_wait3A_40 = tpu.memref_slice %arg4[%mul3A_2, %dma_wait3A_39] : memref<512x128xf32, #tpu.memory_space<hbm>> -> memref<16x128xf32, #tpu.memory_space<hbm>>
      tpu.wait_dma2 semaphore(%run_scoped3A : memref<!tpu.dma_semaphore, #tpu.memory_space<semaphore_mem>>) src(%arg6 : memref<16x128xf32, #tpu.memory_space<vmem>>) dst(%dma_wait3A_40 : memref<16x128xf32, #tpu.memory_space<hbm>>)
      tpu.yield
    }) : () -> ()
    return
  }
}

#map = affine_map<(d0, d1) -> (0, 0)>
#map1 = affine_map<(d0, d1) -> (0)>
module attributes {stable_mosaic.version = 14 : i64} {
  func.func @gk(%arg0: i32, %arg1: i32, %arg2: memref<8192x128xf32, #tpu.memory_space<hbm>>, %arg3: memref<512xi32, #tpu.memory_space<hbm>>, %arg4: memref<512x128xf32, #tpu.memory_space<hbm>>, %arg5: memref<16xi32, #tpu.memory_space<vmem>>, %arg6: memref<16x128xf32, #tpu.memory_space<vmem>>, %arg7: memref<!tpu.dma_semaphore, #tpu.memory_space<semaphore_mem>>) attributes {dimension_semantics = [#tpu.dimension_semantics<core_parallel>, #tpu.dimension_semantics<subcore_parallel>], iteration_bounds = array<i64: 2, 16>, scalar_prefetch = 0 : i64, scratch_operands = 3 : i64, tpu.core_type = #tpu.core_type<sc_vector_subcore>, window_params = [{transform_indices = #map}, {transform_indices = #map1}, {transform_indices = #map}]} {
    %mul3A = arith.constant 2 : i32
    %mul3A_0 = arith.muli %arg1, %mul3A : i32
    %add3A = arith.addi %mul3A_0, %arg0 : i32
    %mul3A_1 = arith.constant 16 : i32
    %mul3A_2 = arith.muli %add3A, %mul3A_1 : i32
    "tpu.region"() ({
      %run_scoped3A = tpu.sem_alloc : memref<!tpu.dma_semaphore, #tpu.memory_space<semaphore_mem>>
      %dma_start3A_33 = tpu.memref_slice %arg3[%mul3A_2] : memref<512xi32, #tpu.memory_space<hbm>> -> memref<16xi32, #tpu.memory_space<hbm>>
      %dma_start3A_34 = tpu.memref_slice %arg3[%mul3A_2] : memref<512xi32, #tpu.memory_space<hbm>> -> memref<16xi32, #tpu.memory_space<hbm>>
      tpu.enqueue_dma source(%dma_start3A_34 : memref<16xi32, #tpu.memory_space<hbm>>) target(%arg5 : memref<16xi32, #tpu.memory_space<vmem>>) target_semaphore(%run_scoped3A : memref<!tpu.dma_semaphore, #tpu.memory_space<semaphore_mem>>)
      %dma_wait3A_35 = tpu.memref_slice %arg3[%mul3A_2] : memref<512xi32, #tpu.memory_space<hbm>> -> memref<16xi32, #tpu.memory_space<hbm>>
      %dma_wait3A_36 = tpu.memref_slice %arg3[%mul3A_2] : memref<512xi32, #tpu.memory_space<hbm>> -> memref<16xi32, #tpu.memory_space<hbm>>
      tpu.wait_dma2 semaphore(%run_scoped3A : memref<!tpu.dma_semaphore, #tpu.memory_space<semaphore_mem>>) src(%dma_wait3A_36 : memref<16xi32, #tpu.memory_space<hbm>>) dst(%arg5 : memref<16xi32, #tpu.memory_space<vmem>>)
      tpu.yield
    }) : () -> ()
    %dma_start3A = arith.constant 0 : i32
    %dma_start3A_3 = arith.constant 0 : i32
    %dma_start3A_4 = tpu.memref_slice %arg6[%dma_start3A, %dma_start3A_3] : memref<16x128xf32, #tpu.memory_space<vmem>> -> memref<8x128xf32, #tpu.memory_space<vmem>>
    %dma_start3A_5 = arith.constant 0 : i32
    %dma_start3A_6 = tpu.memref_slice %arg5[%dma_start3A_5] : memref<16xi32, #tpu.memory_space<vmem>> -> memref<8xi32, #tpu.memory_space<vmem>>
    %dma_start3A_7 = arith.constant 0 : i32
    %dma_start3A_8 = arith.constant 0 : i32
    %dma_start3A_9 = tpu.memref_slice %arg2[%dma_start3A_7, %dma_start3A_8] : memref<8192x128xf32, #tpu.memory_space<hbm>> -> memref<8192x128xf32, #tpu.memory_space<hbm>>
    tpu.enqueue_indirect_dma source(%dma_start3A_9 : memref<8192x128xf32, #tpu.memory_space<hbm>>) target(%dma_start3A_4 : memref<8x128xf32, #tpu.memory_space<vmem>>) offsets(%dma_start3A_6 : memref<8xi32, #tpu.memory_space<vmem>>) semaphore(%arg7 : memref<!tpu.dma_semaphore, #tpu.memory_space<semaphore_mem>>)
    %dma_start3A_10 = arith.constant 8 : i32
    %dma_start3A_11 = arith.constant 0 : i32
    %dma_start3A_12 = tpu.memref_slice %arg6[%dma_start3A_10, %dma_start3A_11] : memref<16x128xf32, #tpu.memory_space<vmem>> -> memref<8x128xf32, #tpu.memory_space<vmem>>
    %dma_start3A_13 = arith.constant 8 : i32
    %dma_start3A_14 = tpu.memref_slice %arg5[%dma_start3A_13] : memref<16xi32, #tpu.memory_space<vmem>> -> memref<8xi32, #tpu.memory_space<vmem>>
    %dma_start3A_15 = arith.constant 0 : i32
    %dma_start3A_16 = arith.constant 0 : i32
    %dma_start3A_17 = tpu.memref_slice %arg2[%dma_start3A_15, %dma_start3A_16] : memref<8192x128xf32, #tpu.memory_space<hbm>> -> memref<8192x128xf32, #tpu.memory_space<hbm>>
    tpu.enqueue_indirect_dma source(%dma_start3A_17 : memref<8192x128xf32, #tpu.memory_space<hbm>>) target(%dma_start3A_12 : memref<8x128xf32, #tpu.memory_space<vmem>>) offsets(%dma_start3A_14 : memref<8xi32, #tpu.memory_space<vmem>>) semaphore(%arg7 : memref<!tpu.dma_semaphore, #tpu.memory_space<semaphore_mem>>)
    %dma_wait3A = arith.constant 0 : i32
    %dma_wait3A_18 = arith.constant 0 : i32
    %dma_wait3A_19 = tpu.memref_slice %arg6[%dma_wait3A, %dma_wait3A_18] : memref<16x128xf32, #tpu.memory_space<vmem>> -> memref<8x128xf32, #tpu.memory_space<vmem>>
    %dma_wait3A_20 = arith.constant 0 : i32
    %dma_wait3A_21 = tpu.memref_slice %arg5[%dma_wait3A_20] : memref<16xi32, #tpu.memory_space<vmem>> -> memref<8xi32, #tpu.memory_space<vmem>>
    %dma_wait3A_22 = arith.constant 0 : i32
    %dma_wait3A_23 = arith.constant 0 : i32
    %dma_wait3A_24 = tpu.memref_slice %arg2[%dma_wait3A_22, %dma_wait3A_23] : memref<8192x128xf32, #tpu.memory_space<hbm>> -> memref<8192x128xf32, #tpu.memory_space<hbm>>
    tpu.wait_indirect_dma semaphore(%arg7 : memref<!tpu.dma_semaphore, #tpu.memory_space<semaphore_mem>>) src(%dma_wait3A_24 : memref<8192x128xf32, #tpu.memory_space<hbm>>) dst(%dma_wait3A_19 : memref<8x128xf32, #tpu.memory_space<vmem>>)
    %dma_wait3A_25 = arith.constant 8 : i32
    %dma_wait3A_26 = arith.constant 0 : i32
    %dma_wait3A_27 = tpu.memref_slice %arg6[%dma_wait3A_25, %dma_wait3A_26] : memref<16x128xf32, #tpu.memory_space<vmem>> -> memref<8x128xf32, #tpu.memory_space<vmem>>
    %dma_wait3A_28 = arith.constant 8 : i32
    %dma_wait3A_29 = tpu.memref_slice %arg5[%dma_wait3A_28] : memref<16xi32, #tpu.memory_space<vmem>> -> memref<8xi32, #tpu.memory_space<vmem>>
    %dma_wait3A_30 = arith.constant 0 : i32
    %dma_wait3A_31 = arith.constant 0 : i32
    %dma_wait3A_32 = tpu.memref_slice %arg2[%dma_wait3A_30, %dma_wait3A_31] : memref<8192x128xf32, #tpu.memory_space<hbm>> -> memref<8192x128xf32, #tpu.memory_space<hbm>>
    tpu.wait_indirect_dma semaphore(%arg7 : memref<!tpu.dma_semaphore, #tpu.memory_space<semaphore_mem>>) src(%dma_wait3A_32 : memref<8192x128xf32, #tpu.memory_space<hbm>>) dst(%dma_wait3A_27 : memref<8x128xf32, #tpu.memory_space<vmem>>)
    "tpu.region"() ({
      %run_scoped3A = tpu.sem_alloc : memref<!tpu.dma_semaphore, #tpu.memory_space<semaphore_mem>>
      %dma_start3A_33 = arith.constant 0 : i32
      %dma_start3A_34 = tpu.memref_slice %arg4[%mul3A_2, %dma_start3A_33] : memref<512x128xf32, #tpu.memory_space<hbm>> -> memref<16x128xf32, #tpu.memory_space<hbm>>
      %dma_start3A_35 = arith.constant 0 : i32
      %dma_start3A_36 = tpu.memref_slice %arg4[%mul3A_2, %dma_start3A_35] : memref<512x128xf32, #tpu.memory_space<hbm>> -> memref<16x128xf32, #tpu.memory_space<hbm>>
      tpu.enqueue_dma source(%arg6 : memref<16x128xf32, #tpu.memory_space<vmem>>) target(%dma_start3A_36 : memref<16x128xf32, #tpu.memory_space<hbm>>) target_semaphore(%run_scoped3A : memref<!tpu.dma_semaphore, #tpu.memory_space<semaphore_mem>>)
      %dma_wait3A_37 = arith.constant 0 : i32
      %dma_wait3A_38 = tpu.memref_slice %arg4[%mul3A_2, %dma_wait3A_37] : memref<512x128xf32, #tpu.memory_space<hbm>> -> memref<16x128xf32, #tpu.memory_space<hbm>>
      %dma_wait3A_39 = arith.constant 0 : i32
      %dma_wait3A_40 = tpu.memref_slice %arg4[%mul3A_2, %dma_wait3A_39] : memref<512x128xf32, #tpu.memory_space<hbm>> -> memref<16x128xf32, #tpu.memory_space<hbm>>
      tpu.wait_dma2 semaphore(%run_scoped3A : memref<!tpu.dma_semaphore, #tpu.memory_space<semaphore_mem>>) src(%arg6 : memref<16x128xf32, #tpu.memory_space<vmem>>) dst(%dma_wait3A_40 : memref<16x128xf32, #tpu.memory_space<hbm>>)
      tpu.yield
    }) : () -> ()
    return
  }
}

module attributes {stable_mosaic.version = 14 : i64} {
  func.func @_encoder_kernel(%arg0: i32, %arg1: memref<32x128x256xf32, #tpu.memory_space<vmem>>, %arg2: memref<64x128xf32, #tpu.memory_space<vmem>>, %arg3: memref<1x64xf32, #tpu.memory_space<vmem>>, %arg4: memref<128x64xf32, #tpu.memory_space<vmem>>, %arg5: memref<1x128xf32, #tpu.memory_space<vmem>>, %arg6: memref<64x128xf32, #tpu.memory_space<vmem>>, %arg7: memref<1x64xf32, #tpu.memory_space<vmem>>, %arg8: memref<32x64xf32, #tpu.memory_space<vmem>>) attributes {dimension_semantics = [#tpu.dimension_semantics<arbitrary>], iteration_bounds = array<i64: 16>, scalar_prefetch = 0 : i64, scratch_operands = 0 : i64, tpu.core_type = #tpu.core_type<tc>, window_params = [{transform_indices = @transform_0, window_bounds = array<i64: 32, 128, 256>}, {pipeline_mode = #tpu.pipeline_mode<synchronous>, transform_indices = @transform_1, window_bounds = array<i64: 64, 128>}, {pipeline_mode = #tpu.pipeline_mode<synchronous>, transform_indices = @transform_2, window_bounds = array<i64: 1, 64>}, {pipeline_mode = #tpu.pipeline_mode<synchronous>, transform_indices = @transform_3, window_bounds = array<i64: 128, 64>}, {pipeline_mode = #tpu.pipeline_mode<synchronous>, transform_indices = @transform_4, window_bounds = array<i64: 1, 128>}, {pipeline_mode = #tpu.pipeline_mode<synchronous>, transform_indices = @transform_5, window_bounds = array<i64: 64, 128>}, {pipeline_mode = #tpu.pipeline_mode<synchronous>, transform_indices = @transform_6, window_bounds = array<i64: 1, 64>}, {transform_indices = @transform_7, window_bounds = array<i64: 32, 64>}]} {
    %get3A = arith.constant 0 : index
    %get3A_0 = arith.constant 0 : index
    %get3A_1 = arith.constant 0 : index
    %get3A_2 = vector.load %arg1[%get3A, %get3A_0, %get3A_1] : memref<32x128x256xf32, #tpu.memory_space<vmem>>, vector<32x128x256xf32>
    %transpose3A = tpu.transpose %get3A_2, [0, 2, 1] : vector<32x128x256xf32> -> vector<32x256x128xf32>
    %reshape3A = vector.shape_cast %transpose3A : vector<32x256x128xf32> to vector<8192x128xf32>
    %get3A_3 = arith.constant 0 : index
    %get3A_4 = arith.constant 0 : index
    %get3A_5 = vector.load %arg2[%get3A_3, %get3A_4] : memref<64x128xf32, #tpu.memory_space<vmem>>, vector<64x128xf32>
    %dot_general3A = arith.constant dense<0.000000e+00> : vector<8192x64xf32>
    %dot_general3A_6 = tpu.matmul %reshape3A, %get3A_5, %dot_general3A {dimension_numbers = #tpu.dot_dimension_numbers<[1], [1], [0], [0], [0, 0, 1, 0], [], []>, transpose_lhs_hint = false} : vector<8192x128xf32>, vector<64x128xf32>, vector<8192x64xf32> -> vector<8192x64xf32>
    %get3A_7 = arith.constant 0 : index
    %get3A_8 = arith.constant 0 : index
    %get3A_9 = vector.load %arg3[%get3A_7, %get3A_8] : memref<1x64xf32, #tpu.memory_space<vmem>>, vector<1x64xf32>
    %add3A = vector.broadcast %get3A_9 : vector<1x64xf32> to vector<8192x64xf32>
    %add3A_10 = arith.addf %dot_general3A_6, %add3A : vector<8192x64xf32>
    %ge3A = arith.constant 0.000000e+00 : f32
    %ge3A_11 = vector.broadcast %ge3A : f32 to vector<8192x64xf32>
    %ge3A_12 = arith.cmpf oge, %add3A_10, %ge3A_11 : vector<8192x64xf32>
    %mul3A = arith.constant 1.000000e-03 : f32
    %mul3A_13 = vector.broadcast %mul3A : f32 to vector<8192x64xf32>
    %mul3A_14 = arith.mulf %mul3A_13, %add3A_10 : vector<8192x64xf32>
    %select_n3A = arith.select %ge3A_12, %add3A_10, %mul3A_14 : vector<8192x64xi1>, vector<8192x64xf32>
    %get3A_15 = arith.constant 0 : index
    %get3A_16 = arith.constant 0 : index
    %get3A_17 = vector.load %arg4[%get3A_15, %get3A_16] : memref<128x64xf32, #tpu.memory_space<vmem>>, vector<128x64xf32>
    %dot_general3A_18 = arith.constant dense<0.000000e+00> : vector<8192x128xf32>
    %dot_general3A_19 = tpu.matmul %select_n3A, %get3A_17, %dot_general3A_18 {dimension_numbers = #tpu.dot_dimension_numbers<[1], [1], [0], [0], [0, 0, 1, 0], [], []>, transpose_lhs_hint = false} : vector<8192x64xf32>, vector<128x64xf32>, vector<8192x128xf32> -> vector<8192x128xf32>
    %get3A_20 = arith.constant 0 : index
    %get3A_21 = arith.constant 0 : index
    %get3A_22 = vector.load %arg5[%get3A_20, %get3A_21] : memref<1x128xf32, #tpu.memory_space<vmem>>, vector<1x128xf32>
    %add3A_23 = vector.broadcast %get3A_22 : vector<1x128xf32> to vector<8192x128xf32>
    %add3A_24 = arith.addf %dot_general3A_19, %add3A_23 : vector<8192x128xf32>
    %ge3A_25 = arith.constant 0.000000e+00 : f32
    %ge3A_26 = vector.broadcast %ge3A_25 : f32 to vector<8192x128xf32>
    %ge3A_27 = arith.cmpf oge, %add3A_24, %ge3A_26 : vector<8192x128xf32>
    %mul3A_28 = arith.constant 1.000000e-03 : f32
    %mul3A_29 = vector.broadcast %mul3A_28 : f32 to vector<8192x128xf32>
    %mul3A_30 = arith.mulf %mul3A_29, %add3A_24 : vector<8192x128xf32>
    %select_n3A_31 = arith.select %ge3A_27, %add3A_24, %mul3A_30 : vector<8192x128xi1>, vector<8192x128xf32>
    %get3A_32 = arith.constant 0 : index
    %get3A_33 = arith.constant 0 : index
    %get3A_34 = vector.load %arg6[%get3A_32, %get3A_33] : memref<64x128xf32, #tpu.memory_space<vmem>>, vector<64x128xf32>
    %dot_general3A_35 = arith.constant dense<0.000000e+00> : vector<8192x64xf32>
    %dot_general3A_36 = tpu.matmul %select_n3A_31, %get3A_34, %dot_general3A_35 {dimension_numbers = #tpu.dot_dimension_numbers<[1], [1], [0], [0], [0, 0, 1, 0], [], []>, transpose_lhs_hint = false} : vector<8192x128xf32>, vector<64x128xf32>, vector<8192x64xf32> -> vector<8192x64xf32>
    %get3A_37 = arith.constant 0 : index
    %get3A_38 = arith.constant 0 : index
    %get3A_39 = vector.load %arg7[%get3A_37, %get3A_38] : memref<1x64xf32, #tpu.memory_space<vmem>>, vector<1x64xf32>
    %add3A_40 = vector.broadcast %get3A_39 : vector<1x64xf32> to vector<8192x64xf32>
    %add3A_41 = arith.addf %dot_general3A_36, %add3A_40 : vector<8192x64xf32>
    %reshape3A_42 = vector.shape_cast %add3A_41 : vector<8192x64xf32> to vector<32x256x64xf32>
    %reduce_max3A = arith.constant dense<0xFF800000> : vector<32x64xf32>
    %reduce_max3A_43 = vector.multi_reduction <maximumf>, %reshape3A_42, %reduce_max3A [1] : vector<32x256x64xf32> to vector<32x64xf32>
    %swap3A = arith.constant 0 : index
    %swap3A_44 = arith.constant 0 : index
    %swap3A_45 = vector.load %arg8[%swap3A, %swap3A_44] : memref<32x64xf32, #tpu.memory_space<vmem>>, vector<32x64xf32>
    tpu.vector_store %arg8[%swap3A, %swap3A_44], %reduce_max3A_43 {strides = array<i32>} : memref<32x64xf32, #tpu.memory_space<vmem>>, vector<32x64xf32>,
    return
  }
  func.func @transform_0(%arg0: i32) -> (i32, i32, i32) {
    %add3A = arith.constant 16 : i32
    %add3A_0 = arith.addi %arg0, %add3A : i32
    %c0_i32 = arith.constant 0 : i32
    %c0_i32_1 = arith.constant 0 : i32
    %c0_i32_2 = arith.constant 0 : i32
    return %add3A_0, %c0_i32, %c0_i32_1 : i32, i32, i32
  }
  func.func @transform_1(%arg0: i32) -> (i32, i32) {
    %c0_i32 = arith.constant 0 : i32
    %c0_i32_0 = arith.constant 0 : i32
    %c0_i32_1 = arith.constant 0 : i32
    return %c0_i32, %c0_i32_0 : i32, i32
  }
  func.func @transform_2(%arg0: i32) -> (i32, i32) {
    %c0_i32 = arith.constant 0 : i32
    %c0_i32_0 = arith.constant 0 : i32
    %c0_i32_1 = arith.constant 0 : i32
    return %c0_i32, %c0_i32_0 : i32, i32
  }
  func.func @transform_3(%arg0: i32) -> (i32, i32) {
    %c0_i32 = arith.constant 0 : i32
    %c0_i32_0 = arith.constant 0 : i32
    %c0_i32_1 = arith.constant 0 : i32
    return %c0_i32, %c0_i32_0 : i32, i32
  }
  func.func @transform_4(%arg0: i32) -> (i32, i32) {
    %c0_i32 = arith.constant 0 : i32
    %c0_i32_0 = arith.constant 0 : i32
    %c0_i32_1 = arith.constant 0 : i32
    return %c0_i32, %c0_i32_0 : i32, i32
  }
  func.func @transform_5(%arg0: i32) -> (i32, i32) {
    %c0_i32 = arith.constant 0 : i32
    %c0_i32_0 = arith.constant 0 : i32
    %c0_i32_1 = arith.constant 0 : i32
    return %c0_i32, %c0_i32_0 : i32, i32
  }
  func.func @transform_6(%arg0: i32) -> (i32, i32) {
    %c0_i32 = arith.constant 0 : i32
    %c0_i32_0 = arith.constant 0 : i32
    %c0_i32_1 = arith.constant 0 : i32
    return %c0_i32, %c0_i32_0 : i32, i32
  }
  func.func @transform_7(%arg0: i32) -> (i32, i32) {
    %c0_i32 = arith.constant 0 : i32
    %c0_i32_0 = arith.constant 0 : i32
    return %arg0, %c0_i32 : i32, i32
  }
}

module attributes {stable_mosaic.version = 14 : i64} {
  func.func @_vq_kernel(%arg0: i32, %arg1: memref<128x64xf32, #tpu.memory_space<vmem>>, %arg2: memref<128x1xf32, #tpu.memory_space<vmem>>, %arg3: memref<1x8192xf32, #tpu.memory_space<vmem>>, %arg4: memref<8192x64xf32, #tpu.memory_space<vmem>>, %arg5: memref<1x1x128xi32, #tpu.memory_space<vmem>>) attributes {dimension_semantics = [#tpu.dimension_semantics<arbitrary>], iteration_bounds = array<i64: 4>, scalar_prefetch = 0 : i64, scratch_operands = 0 : i64, tpu.core_type = #tpu.core_type<tc>, window_params = [{transform_indices = @transform_0, window_bounds = array<i64: 128, 64>}, {transform_indices = @transform_1, window_bounds = array<i64: 128, 1>}, {pipeline_mode = #tpu.pipeline_mode<synchronous>, transform_indices = @transform_2, window_bounds = array<i64: 1, 8192>}, {pipeline_mode = #tpu.pipeline_mode<synchronous>, transform_indices = @transform_3, window_bounds = array<i64: 8192, 64>}, {transform_indices = @transform_4, window_bounds = array<i64: 1, 1, 128>}]} {
    %get3A = arith.constant 0 : index
    %get3A_0 = arith.constant 0 : index
    %get3A_1 = vector.load %arg1[%get3A, %get3A_0] : memref<128x64xf32, #tpu.memory_space<vmem>>, vector<128x64xf32>
    %get3A_2 = arith.constant 0 : index
    %get3A_3 = arith.constant 0 : index
    %get3A_4 = vector.load %arg4[%get3A_2, %get3A_3] : memref<8192x64xf32, #tpu.memory_space<vmem>>, vector<8192x64xf32>
    %dot_general3A = arith.constant dense<0.000000e+00> : vector<128x8192xf32>
    %dot_general3A_5 = tpu.matmul %get3A_1, %get3A_4, %dot_general3A {dimension_numbers = #tpu.dot_dimension_numbers<[1], [1], [0], [0], [0, 0, 1, 0], [], []>, transpose_lhs_hint = false} : vector<128x64xf32>, vector<8192x64xf32>, vector<128x8192xf32> -> vector<128x8192xf32>
    %get3A_6 = arith.constant 0 : index
    %get3A_7 = arith.constant 0 : index
    %get3A_8 = vector.load %arg2[%get3A_6, %get3A_7] : memref<128x1xf32, #tpu.memory_space<vmem>>, vector<128x1xf32>
    %get3A_9 = arith.constant 0 : index
    %get3A_10 = arith.constant 0 : index
    %get3A_11 = vector.load %arg3[%get3A_9, %get3A_10] : memref<1x8192xf32, #tpu.memory_space<vmem>>, vector<1x8192xf32>
    %add3A = vector.broadcast %get3A_8 : vector<128x1xf32> to vector<128x8192xf32>
    %add3A_12 = vector.broadcast %get3A_11 : vector<1x8192xf32> to vector<128x8192xf32>
    %add3A_13 = arith.addf %add3A, %add3A_12 : vector<128x8192xf32>
    %mul3A = arith.constant 2.000000e+00 : f32
    %mul3A_14 = vector.broadcast %mul3A : f32 to vector<128x8192xf32>
    %mul3A_15 = arith.mulf %mul3A_14, %dot_general3A_5 : vector<128x8192xf32>
    %sub3A = arith.subf %add3A_13, %mul3A_15 : vector<128x8192xf32>
    %reduce_min3A = arith.constant dense<0x7F800000> : vector<128xf32>
    %reduce_min3A_16 = vector.multi_reduction <minimumf>, %sub3A, %reduce_min3A [1] : vector<128x8192xf32> to vector<128xf32>
    %broadcast_in_dim3A = vector.shape_cast %reduce_min3A_16 : vector<128xf32> to vector<128x1xf32>
    %iota3A = tpu.iota {dimensions = array<i32: 1>} : vector<128x8192xi32>
    %eq3A = vector.broadcast %broadcast_in_dim3A : vector<128x1xf32> to vector<128x8192xf32>
    %eq3A_17 = arith.cmpf oeq, %sub3A, %eq3A : vector<128x8192xf32>
    %jit3A = arith.constant 8192 : i32
    %broadcast_in_dim3A_18 = vector.broadcast %jit3A : i32 to vector<128x8192xi32>
    %select_n3A = arith.select %eq3A_17, %iota3A, %broadcast_in_dim3A_18 : vector<128x8192xi1>, vector<128x8192xi32>
    %reduce_min3A_19 = arith.constant dense<2147483647> : vector<128xi32>
    %reduce_min3A_20 = vector.multi_reduction <minsi>, %select_n3A, %reduce_min3A_19 [1] : vector<128x8192xi32> to vector<128xi32>
    %swap3A = arith.constant 0 : index
    %swap3A_21 = arith.constant 0 : index
    %swap3A_22 = arith.constant 0 : index
    %swap3A_23 = vector.load %arg5[%swap3A, %swap3A_21, %swap3A_22] : memref<1x1x128xi32, #tpu.memory_space<vmem>>, vector<1x1x128xi32>
    %swap3A_24 = vector.shape_cast %swap3A_23 : vector<1x1x128xi32> to vector<128xi32>
    %swap3A_25 = vector.shape_cast %reduce_min3A_20 : vector<128xi32> to vector<1x1x128xi32>
    tpu.vector_store %arg5[%swap3A, %swap3A_21, %swap3A_22], %swap3A_25 {strides = array<i32>} : memref<1x1x128xi32, #tpu.memory_space<vmem>>, vector<1x1x128xi32>,
    return
  }
  func.func @transform_0(%arg0: i32) -> (i32, i32) {
    %c0_i32 = arith.constant 0 : i32
    %c0_i32_0 = arith.constant 0 : i32
    return %arg0, %c0_i32 : i32, i32
  }
  func.func @transform_1(%arg0: i32) -> (i32, i32) {
    %c0_i32 = arith.constant 0 : i32
    %c0_i32_0 = arith.constant 0 : i32
    return %arg0, %c0_i32 : i32, i32
  }
  func.func @transform_2(%arg0: i32) -> (i32, i32) {
    %c0_i32 = arith.constant 0 : i32
    %c0_i32_0 = arith.constant 0 : i32
    %c0_i32_1 = arith.constant 0 : i32
    return %c0_i32, %c0_i32_0 : i32, i32
  }
  func.func @transform_3(%arg0: i32) -> (i32, i32) {
    %c0_i32 = arith.constant 0 : i32
    %c0_i32_0 = arith.constant 0 : i32
    %c0_i32_1 = arith.constant 0 : i32
    return %c0_i32, %c0_i32_0 : i32, i32
  }
  func.func @transform_4(%arg0: i32) -> (i32, i32, i32) {
    %c0_i32 = arith.constant 0 : i32
    %c0_i32_0 = arith.constant 0 : i32
    %c0_i32_1 = arith.constant 0 : i32
    return %arg0, %c0_i32, %c0_i32_0 : i32, i32, i32
  }
}

module attributes {stable_mosaic.version = 14 : i64} {
  func.func @_encoder_kernel(%arg0: i32, %arg1: memref<32x128x256xf32, #tpu.memory_space<vmem>>, %arg2: memref<64x128xf32, #tpu.memory_space<vmem>>, %arg3: memref<1x64xf32, #tpu.memory_space<vmem>>, %arg4: memref<128x64xf32, #tpu.memory_space<vmem>>, %arg5: memref<1x128xf32, #tpu.memory_space<vmem>>, %arg6: memref<64x128xf32, #tpu.memory_space<vmem>>, %arg7: memref<1x64xf32, #tpu.memory_space<vmem>>, %arg8: memref<32x64xf32, #tpu.memory_space<vmem>>) attributes {dimension_semantics = [#tpu.dimension_semantics<arbitrary>], iteration_bounds = array<i64: 16>, scalar_prefetch = 0 : i64, scratch_operands = 0 : i64, tpu.core_type = #tpu.core_type<tc>, window_params = [{transform_indices = @transform_0, window_bounds = array<i64: 32, 128, 256>}, {pipeline_mode = #tpu.pipeline_mode<synchronous>, transform_indices = @transform_1, window_bounds = array<i64: 64, 128>}, {pipeline_mode = #tpu.pipeline_mode<synchronous>, transform_indices = @transform_2, window_bounds = array<i64: 1, 64>}, {pipeline_mode = #tpu.pipeline_mode<synchronous>, transform_indices = @transform_3, window_bounds = array<i64: 128, 64>}, {pipeline_mode = #tpu.pipeline_mode<synchronous>, transform_indices = @transform_4, window_bounds = array<i64: 1, 128>}, {pipeline_mode = #tpu.pipeline_mode<synchronous>, transform_indices = @transform_5, window_bounds = array<i64: 64, 128>}, {pipeline_mode = #tpu.pipeline_mode<synchronous>, transform_indices = @transform_6, window_bounds = array<i64: 1, 64>}, {transform_indices = @transform_7, window_bounds = array<i64: 32, 64>}]} {
    %get3A = arith.constant 0 : index
    %get3A_0 = arith.constant 0 : index
    %get3A_1 = arith.constant 0 : index
    %get3A_2 = vector.load %arg1[%get3A, %get3A_0, %get3A_1] : memref<32x128x256xf32, #tpu.memory_space<vmem>>, vector<32x128x256xf32>
    %transpose3A = tpu.transpose %get3A_2, [0, 2, 1] : vector<32x128x256xf32> -> vector<32x256x128xf32>
    %reshape3A = vector.shape_cast %transpose3A : vector<32x256x128xf32> to vector<8192x128xf32>
    %get3A_3 = arith.constant 0 : index
    %get3A_4 = arith.constant 0 : index
    %get3A_5 = vector.load %arg2[%get3A_3, %get3A_4] : memref<64x128xf32, #tpu.memory_space<vmem>>, vector<64x128xf32>
    %dot_general3A = arith.constant dense<0.000000e+00> : vector<8192x64xf32>
    %dot_general3A_6 = tpu.matmul %reshape3A, %get3A_5, %dot_general3A {dimension_numbers = #tpu.dot_dimension_numbers<[1], [1], [0], [0], [0, 0, 1, 0], [], []>, transpose_lhs_hint = false} : vector<8192x128xf32>, vector<64x128xf32>, vector<8192x64xf32> -> vector<8192x64xf32>
    %get3A_7 = arith.constant 0 : index
    %get3A_8 = arith.constant 0 : index
    %get3A_9 = vector.load %arg3[%get3A_7, %get3A_8] : memref<1x64xf32, #tpu.memory_space<vmem>>, vector<1x64xf32>
    %add3A = vector.broadcast %get3A_9 : vector<1x64xf32> to vector<8192x64xf32>
    %add3A_10 = arith.addf %dot_general3A_6, %add3A : vector<8192x64xf32>
    %ge3A = arith.constant 0.000000e+00 : f32
    %ge3A_11 = vector.broadcast %ge3A : f32 to vector<8192x64xf32>
    %ge3A_12 = arith.cmpf oge, %add3A_10, %ge3A_11 : vector<8192x64xf32>
    %mul3A = arith.constant 1.000000e-03 : f32
    %mul3A_13 = vector.broadcast %mul3A : f32 to vector<8192x64xf32>
    %mul3A_14 = arith.mulf %mul3A_13, %add3A_10 : vector<8192x64xf32>
    %select_n3A = arith.select %ge3A_12, %add3A_10, %mul3A_14 : vector<8192x64xi1>, vector<8192x64xf32>
    %get3A_15 = arith.constant 0 : index
    %get3A_16 = arith.constant 0 : index
    %get3A_17 = vector.load %arg4[%get3A_15, %get3A_16] : memref<128x64xf32, #tpu.memory_space<vmem>>, vector<128x64xf32>
    %dot_general3A_18 = arith.constant dense<0.000000e+00> : vector<8192x128xf32>
    %dot_general3A_19 = tpu.matmul %select_n3A, %get3A_17, %dot_general3A_18 {dimension_numbers = #tpu.dot_dimension_numbers<[1], [1], [0], [0], [0, 0, 1, 0], [], []>, transpose_lhs_hint = false} : vector<8192x64xf32>, vector<128x64xf32>, vector<8192x128xf32> -> vector<8192x128xf32>
    %get3A_20 = arith.constant 0 : index
    %get3A_21 = arith.constant 0 : index
    %get3A_22 = vector.load %arg5[%get3A_20, %get3A_21] : memref<1x128xf32, #tpu.memory_space<vmem>>, vector<1x128xf32>
    %add3A_23 = vector.broadcast %get3A_22 : vector<1x128xf32> to vector<8192x128xf32>
    %add3A_24 = arith.addf %dot_general3A_19, %add3A_23 : vector<8192x128xf32>
    %ge3A_25 = arith.constant 0.000000e+00 : f32
    %ge3A_26 = vector.broadcast %ge3A_25 : f32 to vector<8192x128xf32>
    %ge3A_27 = arith.cmpf oge, %add3A_24, %ge3A_26 : vector<8192x128xf32>
    %mul3A_28 = arith.constant 1.000000e-03 : f32
    %mul3A_29 = vector.broadcast %mul3A_28 : f32 to vector<8192x128xf32>
    %mul3A_30 = arith.mulf %mul3A_29, %add3A_24 : vector<8192x128xf32>
    %select_n3A_31 = arith.select %ge3A_27, %add3A_24, %mul3A_30 : vector<8192x128xi1>, vector<8192x128xf32>
    %get3A_32 = arith.constant 0 : index
    %get3A_33 = arith.constant 0 : index
    %get3A_34 = vector.load %arg6[%get3A_32, %get3A_33] : memref<64x128xf32, #tpu.memory_space<vmem>>, vector<64x128xf32>
    %dot_general3A_35 = arith.constant dense<0.000000e+00> : vector<8192x64xf32>
    %dot_general3A_36 = tpu.matmul %select_n3A_31, %get3A_34, %dot_general3A_35 {dimension_numbers = #tpu.dot_dimension_numbers<[1], [1], [0], [0], [0, 0, 1, 0], [], []>, transpose_lhs_hint = false} : vector<8192x128xf32>, vector<64x128xf32>, vector<8192x64xf32> -> vector<8192x64xf32>
    %get3A_37 = arith.constant 0 : index
    %get3A_38 = arith.constant 0 : index
    %get3A_39 = vector.load %arg7[%get3A_37, %get3A_38] : memref<1x64xf32, #tpu.memory_space<vmem>>, vector<1x64xf32>
    %add3A_40 = vector.broadcast %get3A_39 : vector<1x64xf32> to vector<8192x64xf32>
    %add3A_41 = arith.addf %dot_general3A_36, %add3A_40 : vector<8192x64xf32>
    %reshape3A_42 = vector.shape_cast %add3A_41 : vector<8192x64xf32> to vector<32x256x64xf32>
    %reduce_max3A = arith.constant dense<0xFF800000> : vector<32x64xf32>
    %reduce_max3A_43 = vector.multi_reduction <maximumf>, %reshape3A_42, %reduce_max3A [1] : vector<32x256x64xf32> to vector<32x64xf32>
    %swap3A = arith.constant 0 : index
    %swap3A_44 = arith.constant 0 : index
    %swap3A_45 = vector.load %arg8[%swap3A, %swap3A_44] : memref<32x64xf32, #tpu.memory_space<vmem>>, vector<32x64xf32>
    tpu.vector_store %arg8[%swap3A, %swap3A_44], %reduce_max3A_43 {strides = array<i32>} : memref<32x64xf32, #tpu.memory_space<vmem>>, vector<32x64xf32>,
    return
  }
  func.func @transform_0(%arg0: i32) -> (i32, i32, i32) {
    %add3A = arith.constant 0 : i32
    %add3A_0 = arith.addi %arg0, %add3A : i32
    %c0_i32 = arith.constant 0 : i32
    %c0_i32_1 = arith.constant 0 : i32
    %c0_i32_2 = arith.constant 0 : i32
    return %add3A_0, %c0_i32, %c0_i32_1 : i32, i32, i32
  }
  func.func @transform_1(%arg0: i32) -> (i32, i32) {
    %c0_i32 = arith.constant 0 : i32
    %c0_i32_0 = arith.constant 0 : i32
    %c0_i32_1 = arith.constant 0 : i32
    return %c0_i32, %c0_i32_0 : i32, i32
  }
  func.func @transform_2(%arg0: i32) -> (i32, i32) {
    %c0_i32 = arith.constant 0 : i32
    %c0_i32_0 = arith.constant 0 : i32
    %c0_i32_1 = arith.constant 0 : i32
    return %c0_i32, %c0_i32_0 : i32, i32
  }
  func.func @transform_3(%arg0: i32) -> (i32, i32) {
    %c0_i32 = arith.constant 0 : i32
    %c0_i32_0 = arith.constant 0 : i32
    %c0_i32_1 = arith.constant 0 : i32
    return %c0_i32, %c0_i32_0 : i32, i32
  }
  func.func @transform_4(%arg0: i32) -> (i32, i32) {
    %c0_i32 = arith.constant 0 : i32
    %c0_i32_0 = arith.constant 0 : i32
    %c0_i32_1 = arith.constant 0 : i32
    return %c0_i32, %c0_i32_0 : i32, i32
  }
  func.func @transform_5(%arg0: i32) -> (i32, i32) {
    %c0_i32 = arith.constant 0 : i32
    %c0_i32_0 = arith.constant 0 : i32
    %c0_i32_1 = arith.constant 0 : i32
    return %c0_i32, %c0_i32_0 : i32, i32
  }
  func.func @transform_6(%arg0: i32) -> (i32, i32) {
    %c0_i32 = arith.constant 0 : i32
    %c0_i32_0 = arith.constant 0 : i32
    %c0_i32_1 = arith.constant 0 : i32
    return %c0_i32, %c0_i32_0 : i32, i32
  }
  func.func @transform_7(%arg0: i32) -> (i32, i32) {
    %c0_i32 = arith.constant 0 : i32
    %c0_i32_0 = arith.constant 0 : i32
    return %arg0, %c0_i32 : i32, i32
  }
}

module attributes {stable_mosaic.version = 14 : i64} {
  func.func @_decoder_kernel(%arg0: i32, %arg1: memref<512x64xf32, #tpu.memory_space<vmem>>, %arg2: memref<512x64xf32, #tpu.memory_space<vmem>>, %arg3: memref<512x128xf32, #tpu.memory_space<vmem>>, %arg4: memref<512x128xf32, #tpu.memory_space<vmem>>, %arg5: memref<64x128xf32, #tpu.memory_space<vmem>>, %arg6: memref<1x128xf32, #tpu.memory_space<vmem>>, %arg7: memref<128x64xf32, #tpu.memory_space<vmem>>, %arg8: memref<1x64xf32, #tpu.memory_space<vmem>>, %arg9: memref<64x128xf32, #tpu.memory_space<vmem>>, %arg10: memref<1x128xf32, #tpu.memory_space<vmem>>, %arg11: memref<1024x128xf32, #tpu.memory_space<vmem>>, %arg12: memref<1x1xf32, #tpu.memory_space<vmem>>) attributes {dimension_semantics = [#tpu.dimension_semantics<arbitrary>], iteration_bounds = array<i64: 1>, scalar_prefetch = 0 : i64, scratch_operands = 0 : i64, tpu.core_type = #tpu.core_type<tc>, window_params = [{pipeline_mode = #tpu.pipeline_mode<synchronous>, transform_indices = @transform_0, window_bounds = array<i64: 512, 64>}, {pipeline_mode = #tpu.pipeline_mode<synchronous>, transform_indices = @transform_1, window_bounds = array<i64: 512, 64>}, {pipeline_mode = #tpu.pipeline_mode<synchronous>, transform_indices = @transform_2, window_bounds = array<i64: 512, 128>}, {pipeline_mode = #tpu.pipeline_mode<synchronous>, transform_indices = @transform_3, window_bounds = array<i64: 512, 128>}, {pipeline_mode = #tpu.pipeline_mode<synchronous>, transform_indices = @transform_4, window_bounds = array<i64: 64, 128>}, {pipeline_mode = #tpu.pipeline_mode<synchronous>, transform_indices = @transform_5, window_bounds = array<i64: 1, 128>}, {pipeline_mode = #tpu.pipeline_mode<synchronous>, transform_indices = @transform_6, window_bounds = array<i64: 128, 64>}, {pipeline_mode = #tpu.pipeline_mode<synchronous>, transform_indices = @transform_7, window_bounds = array<i64: 1, 64>}, {pipeline_mode = #tpu.pipeline_mode<synchronous>, transform_indices = @transform_8, window_bounds = array<i64: 64, 128>}, {pipeline_mode = #tpu.pipeline_mode<synchronous>, transform_indices = @transform_9, window_bounds = array<i64: 1, 128>}, {pipeline_mode = #tpu.pipeline_mode<synchronous>, transform_indices = @transform_10, window_bounds = array<i64: 1024, 128>}, {pipeline_mode = #tpu.pipeline_mode<synchronous>, transform_indices = @transform_11, window_bounds = array<i64: 1, 1>}]} {
    %get3A = arith.constant 0 : index
    %get3A_0 = arith.constant 0 : index
    %get3A_1 = vector.load %arg1[%get3A, %get3A_0] : memref<512x64xf32, #tpu.memory_space<vmem>>, vector<512x64xf32>
    %get3A_2 = arith.constant 0 : index
    %get3A_3 = arith.constant 0 : index
    %get3A_4 = vector.load %arg2[%get3A_2, %get3A_3] : memref<512x64xf32, #tpu.memory_space<vmem>>, vector<512x64xf32>
    %concatenate3A = tpu.concatenate %get3A_1, %get3A_4 in 0 : vector<512x64xf32>, vector<512x64xf32> -> vector<1024x64xf32>
    %get3A_5 = arith.constant 0 : index
    %get3A_6 = arith.constant 0 : index
    %get3A_7 = vector.load %arg3[%get3A_5, %get3A_6] : memref<512x128xf32, #tpu.memory_space<vmem>>, vector<512x64xf32>
    %get3A_8 = arith.constant 0 : index
    %get3A_9 = arith.constant 0 : index
    %get3A_10 = vector.load %arg4[%get3A_8, %get3A_9] : memref<512x128xf32, #tpu.memory_space<vmem>>, vector<512x64xf32>
    %concatenate3A_11 = tpu.concatenate %get3A_7, %get3A_10 in 0 : vector<512x64xf32>, vector<512x64xf32> -> vector<1024x64xf32>
    %sub3A = arith.subf %concatenate3A_11, %concatenate3A : vector<1024x64xf32>
    %mul3A = arith.mulf %sub3A, %sub3A : vector<1024x64xf32>
    %reduce_sum3A = vector.shape_cast %mul3A : vector<1024x64xf32> to vector<1x1024x64xf32>
    %reduce_sum3A_12 = arith.constant dense<0.000000e+00> : vector<1xf32>
    %reduce_sum3A_13 = vector.multi_reduction <add>, %reduce_sum3A, %reduce_sum3A_12 [1, 2] : vector<1x1024x64xf32> to vector<1xf32>
    %reduce_sum3A_14 = vector.shape_cast %reduce_sum3A_13 : vector<1xf32> to vector<1x1x1xf32>
    %reduce_sum3A_15 = vector.extract %reduce_sum3A_14[0, 0, 0] : f32 from vector<1x1x1xf32>
    %mul3A_16 = arith.constant 1.52587891E-5 : f32
    %mul3A_17 = arith.mulf %reduce_sum3A_15, %mul3A_16 : f32
    %mul3A_18 = arith.constant 2.500000e-01 : f32
    %mul3A_19 = arith.mulf %mul3A_18, %mul3A_17 : f32
    %add3A = arith.addf %mul3A_17, %mul3A_19 : f32
    %reshape3A = vector.broadcast %add3A : f32 to vector<1x1xf32>
    %swap3A = arith.constant 0 : index
    %swap3A_20 = arith.constant 0 : index
    %swap3A_21 = vector.load %arg12[%swap3A, %swap3A_20] : memref<1x1xf32, #tpu.memory_space<vmem>>, vector<1x1xf32>
    tpu.vector_store %arg12[%swap3A, %swap3A_20], %reshape3A {strides = array<i32>} : memref<1x1xf32, #tpu.memory_space<vmem>>, vector<1x1xf32>,
    %add3A_22 = arith.addf %concatenate3A, %sub3A : vector<1024x64xf32>
    %get3A_23 = arith.constant 0 : index
    %get3A_24 = arith.constant 0 : index
    %get3A_25 = vector.load %arg5[%get3A_23, %get3A_24] : memref<64x128xf32, #tpu.memory_space<vmem>>, vector<64x128xf32>
    %dot_general3A = arith.constant dense<0.000000e+00> : vector<1024x128xf32>
    %dot_general3A_26 = tpu.matmul %add3A_22, %get3A_25, %dot_general3A {dimension_numbers = #tpu.dot_dimension_numbers<[1], [0], [0], [1], [0, 0, 1, 1], [], []>, transpose_lhs_hint = false} : vector<1024x64xf32>, vector<64x128xf32>, vector<1024x128xf32> -> vector<1024x128xf32>
    %get3A_27 = arith.constant 0 : index
    %get3A_28 = arith.constant 0 : index
    %get3A_29 = vector.load %arg6[%get3A_27, %get3A_28] : memref<1x128xf32, #tpu.memory_space<vmem>>, vector<1x128xf32>
    %add3A_30 = vector.broadcast %get3A_29 : vector<1x128xf32> to vector<1024x128xf32>
    %add3A_31 = arith.addf %dot_general3A_26, %add3A_30 : vector<1024x128xf32>
    %ge3A = arith.constant 0.000000e+00 : f32
    %ge3A_32 = vector.broadcast %ge3A : f32 to vector<1024x128xf32>
    %ge3A_33 = arith.cmpf oge, %add3A_31, %ge3A_32 : vector<1024x128xf32>
    %mul3A_34 = arith.constant 1.000000e-03 : f32
    %mul3A_35 = vector.broadcast %mul3A_34 : f32 to vector<1024x128xf32>
    %mul3A_36 = arith.mulf %mul3A_35, %add3A_31 : vector<1024x128xf32>
    %select_n3A = arith.select %ge3A_33, %add3A_31, %mul3A_36 : vector<1024x128xi1>, vector<1024x128xf32>
    %get3A_37 = arith.constant 0 : index
    %get3A_38 = arith.constant 0 : index
    %get3A_39 = vector.load %arg7[%get3A_37, %get3A_38] : memref<128x64xf32, #tpu.memory_space<vmem>>, vector<128x64xf32>
    %dot_general3A_40 = arith.constant dense<0.000000e+00> : vector<1024x64xf32>
    %dot_general3A_41 = tpu.matmul %select_n3A, %get3A_39, %dot_general3A_40 {dimension_numbers = #tpu.dot_dimension_numbers<[1], [0], [0], [1], [0, 0, 1, 1], [], []>, transpose_lhs_hint = false} : vector<1024x128xf32>, vector<128x64xf32>, vector<1024x64xf32> -> vector<1024x64xf32>
    %get3A_42 = arith.constant 0 : index
    %get3A_43 = arith.constant 0 : index
    %get3A_44 = vector.load %arg8[%get3A_42, %get3A_43] : memref<1x64xf32, #tpu.memory_space<vmem>>, vector<1x64xf32>
    %add3A_45 = vector.broadcast %get3A_44 : vector<1x64xf32> to vector<1024x64xf32>
    %add3A_46 = arith.addf %dot_general3A_41, %add3A_45 : vector<1024x64xf32>
    %ge3A_47 = arith.constant 0.000000e+00 : f32
    %ge3A_48 = vector.broadcast %ge3A_47 : f32 to vector<1024x64xf32>
    %ge3A_49 = arith.cmpf oge, %add3A_46, %ge3A_48 : vector<1024x64xf32>
    %mul3A_50 = arith.constant 1.000000e-03 : f32
    %mul3A_51 = vector.broadcast %mul3A_50 : f32 to vector<1024x64xf32>
    %mul3A_52 = arith.mulf %mul3A_51, %add3A_46 : vector<1024x64xf32>
    %select_n3A_53 = arith.select %ge3A_49, %add3A_46, %mul3A_52 : vector<1024x64xi1>, vector<1024x64xf32>
    %get3A_54 = arith.constant 0 : index
    %get3A_55 = arith.constant 0 : index
    %get3A_56 = vector.load %arg9[%get3A_54, %get3A_55] : memref<64x128xf32, #tpu.memory_space<vmem>>, vector<64x128xf32>
    %dot_general3A_57 = arith.constant dense<0.000000e+00> : vector<1024x128xf32>
    %dot_general3A_58 = tpu.matmul %select_n3A_53, %get3A_56, %dot_general3A_57 {dimension_numbers = #tpu.dot_dimension_numbers<[1], [0], [0], [1], [0, 0, 1, 1], [], []>, transpose_lhs_hint = false} : vector<1024x64xf32>, vector<64x128xf32>, vector<1024x128xf32> -> vector<1024x128xf32>
    %get3A_59 = arith.constant 0 : index
    %get3A_60 = arith.constant 0 : index
    %get3A_61 = vector.load %arg10[%get3A_59, %get3A_60] : memref<1x128xf32, #tpu.memory_space<vmem>>, vector<1x128xf32>
    %add3A_62 = vector.broadcast %get3A_61 : vector<1x128xf32> to vector<1024x128xf32>
    %add3A_63 = arith.addf %dot_general3A_58, %add3A_62 : vector<1024x128xf32>
    %swap3A_64 = arith.constant 0 : index
    %swap3A_65 = arith.constant 0 : index
    %swap3A_66 = vector.load %arg11[%swap3A_64, %swap3A_65] : memref<1024x128xf32, #tpu.memory_space<vmem>>, vector<1024x128xf32>
    tpu.vector_store %arg11[%swap3A_64, %swap3A_65], %add3A_63 {strides = array<i32>} : memref<1024x128xf32, #tpu.memory_space<vmem>>, vector<1024x128xf32>,
    return
  }
  func.func @transform_0(%arg0: i32) -> (i32, i32) {
    %c0_i32 = arith.constant 0 : i32
    %c0_i32_0 = arith.constant 0 : i32
    %c0_i32_1 = arith.constant 0 : i32
    return %c0_i32, %c0_i32_0 : i32, i32
  }
  func.func @transform_1(%arg0: i32) -> (i32, i32) {
    %c0_i32 = arith.constant 0 : i32
    %c0_i32_0 = arith.constant 0 : i32
    %c0_i32_1 = arith.constant 0 : i32
    return %c0_i32, %c0_i32_0 : i32, i32
  }
  func.func @transform_2(%arg0: i32) -> (i32, i32) {
    %c0_i32 = arith.constant 0 : i32
    %c0_i32_0 = arith.constant 0 : i32
    %c0_i32_1 = arith.constant 0 : i32
    return %c0_i32, %c0_i32_0 : i32, i32
  }
  func.func @transform_3(%arg0: i32) -> (i32, i32) {
    %c0_i32 = arith.constant 0 : i32
    %c0_i32_0 = arith.constant 0 : i32
    %c0_i32_1 = arith.constant 0 : i32
    return %c0_i32, %c0_i32_0 : i32, i32
  }
  func.func @transform_4(%arg0: i32) -> (i32, i32) {
    %c0_i32 = arith.constant 0 : i32
    %c0_i32_0 = arith.constant 0 : i32
    %c0_i32_1 = arith.constant 0 : i32
    return %c0_i32, %c0_i32_0 : i32, i32
  }
  func.func @transform_5(%arg0: i32) -> (i32, i32) {
    %c0_i32 = arith.constant 0 : i32
    %c0_i32_0 = arith.constant 0 : i32
    %c0_i32_1 = arith.constant 0 : i32
    return %c0_i32, %c0_i32_0 : i32, i32
  }
  func.func @transform_6(%arg0: i32) -> (i32, i32) {
    %c0_i32 = arith.constant 0 : i32
    %c0_i32_0 = arith.constant 0 : i32
    %c0_i32_1 = arith.constant 0 : i32
    return %c0_i32, %c0_i32_0 : i32, i32
  }
  func.func @transform_7(%arg0: i32) -> (i32, i32) {
    %c0_i32 = arith.constant 0 : i32
    %c0_i32_0 = arith.constant 0 : i32
    %c0_i32_1 = arith.constant 0 : i32
    return %c0_i32, %c0_i32_0 : i32, i32
  }
  func.func @transform_8(%arg0: i32) -> (i32, i32) {
    %c0_i32 = arith.constant 0 : i32
    %c0_i32_0 = arith.constant 0 : i32
    %c0_i32_1 = arith.constant 0 : i32
    return %c0_i32, %c0_i32_0 : i32, i32
  }
  func.func @transform_9(%arg0: i32) -> (i32, i32) {
    %c0_i32 = arith.constant 0 : i32
    %c0_i32_0 = arith.constant 0 : i32
    %c0_i32_1 = arith.constant 0 : i32
    return %c0_i32, %c0_i32_0 : i32, i32
  }
  func.func @transform_10(%arg0: i32) -> (i32, i32) {
    %c0_i32 = arith.constant 0 : i32
    %c0_i32_0 = arith.constant 0 : i32
    %c0_i32_1 = arith.constant 0 : i32
    return %c0_i32, %c0_i32_0 : i32, i32
  }
  func.func @transform_11(%arg0: i32) -> (i32, i32) {
    %c0_i32 = arith.constant 0 : i32
    %c0_i32_0 = arith.constant 0 : i32
    %c0_i32_1 = arith.constant 0 : i32
    return %c0_i32, %c0_i32_0 : i32, i32
  }
}

</mosaic_0001>

<sc_bundles>
// kernel: kernel.12.cloned.1.call-start
scs
__scs_entry_jumppad:
0x0: {  	(pc) =	sbr.rel $0x88, $3  }
0x1: {  	(tag) =	ssettag $0x0;
	lr =	simm.s32 $0x1  }
0x2: {  	[smem:$0x3F93] =	sst lr;
	_ =	strace $0xD0000000  }
0x3: {  	_ = 	snop  }
0x4: {  	_ = 	snop  }
0x5: {  	_ = 	snop  }
0x6: {  	_ = 	snop  }
0x7: {  	_ = 	snop  }
__scs_overlays_trampoline_lowered:
0x8: {  	[smem:$0x3FA2] =	sst s0  }
0x9: {  	[smem:$0x3FA3] =	sst s1  }
0xa: {  	[smem:$0x3FA4] =	sst s2  }
0xb: {  	[smem:$0x3FA5] =	sst s3  }
0xc: {  	[smem:$0x3FA6] =	sst s4  }
0xd: {  	[smem:$0x3FA7] =	sst s5  }
0xe: {  	[smem:$0x3FA8] =	sst s6  }
0xf: {  	[smem:$0x3FA9] =	sst s7  }
0x10: {  	[smem:$0x3FAA] =	sst s8  }
0x11: {  	[smem:$0x3FAB] =	sst s9;
	s0 =	simm.s32 @!p0 $0x0  }
0x12: {  	s1 =	sld [smem:$0x3F91];
	s0 =	simm.s32 @p0 $0x1  }
0x13: {  	[smem:$0x3FAC] =	sst s0;
	s0 =	simm.s32 @!p1 $0x0  }
0x14: {  	s2 =	sld [smem:$0x3F90];
	s0 =	simm.s32 @p1 $0x1  }
0x15: {  	[smem:$0x3FAD] =	sst s0;
	s0 =	simm.s32 @!p2 $0x0  }
0x16: {  	s3 =	sld [smem:$0x3FDB];
	s0 =	simm.s32 @p2 $0x1  }
0x17: {  	s4 =	simm.s32 $0x1BF5;
	[smem:$0x3FAF] =	sst s0  }
0x18: {  	s0 =	sld [smem:$0x3F92];
	_ =	swait.ge [sflag:s4], $0x0  }
0x19: {  	s7 =	sld [smem:$0x3F93]  }
0x1a: {  	s8 =	sadd.s32 $0xFFFFE003, lr  }
0x1b: {  	s9 =	sadd.s32 $0xFFFFFEF7, lr;
	s5 =	simm.s32 $0xFFFFFFFF;
	p2 =	slt.u32 s8, $0xFFFFF086  }
0x1c: {  	p1 =	slt.u32 s9, $0xF7A;
	s5 =	simm.s32 @!p2 $0x0  }
0x1d: {  	s5 =	simm.s32 @p1 $0x1;
	p0 =	seq.s32 s7, s2  }
0x1e: {  	s7 =	smul.u32 @!p0 $0xF7A, s2;
	p2 =	seq.s32 @!p0 s5, $0x0  }
0x1f: {  	s9 =	smul.u32 $0xF7A, s1;
	s8 =	simm.s32 @!p0 $0x1BF5;
	p2 =	por !p2, p0  }
0x20: {  	[sflag:s8] =	ssyncset.s32 @!p0 $0xFFFFF086;
	s6 =	sadd.s32 @!p0 s3, s7;
	s7 =	simm.s32 @!p0 $0x108  }
0x21: {  	s3 =	sadd.s32 s3, s9;
	s6 =	sadd.s32 @!p0 $0x88, s6;
	s7 =	simm.s32 @p2 $0x1082  }
0x22: {  	[simem:s7], [sflag:s8] =	dma.local @!p0 [hbm:s6], $0xF7A  }
0x23: {  	s9 =	sor.u32 $0xD0000000, s2;
	s6 =	simm.s32 $0x108;
	_ =	swait.ge @!p0 [sflag:s8], $0x0  }
0x24: {  	s3 =	sadd.s32 $0x88, s3;
	s6 =	simm.s32 @!p1 $0x1082;
	[sflag:s4] =	ssyncset.s32 $0xFFFFF086  }
0x25: {  	[simem:s6], [sflag:s4] =	dma.local [hbm:s3], $0xF7A  }
0x26: {  	[smem:$0x3F93] =	sst s1;
	(tag) =	ssettag s2;
	_ =	strace s9  }
0x27: {  	s1 =	sld [smem:$0x3FA3]  }
0x28: {  	s2 =	sld [smem:$0x3FA4]  }
0x29: {  	s4 =	sld [smem:$0x3FA6]  }
0x2a: {  	p0 =	seq.s32 s5, $0x0;
	s5 =	sld [smem:$0x3FA7]  }
0x2b: {  	s6 =	sld [smem:$0x3FA8]  }
0x2c: {  	s7 =	sld [smem:$0x3FA9]  }
0x2d: {  	s3 =	simm.s32 $0x108;
	s8 =	sld [smem:$0x3FAA]  }
0x2e: {  	s3 =	simm.s32 @!p0 $0x1082;
	s9 =	sld [smem:$0x3FAB]  }
0x2f: {  	lr =	sadd.s32 s0, s3;
	s0 =	sld [smem:$0x3FA2]  }
0x30: {  	s3 =	sld [smem:$0x3FA5]  }
0x31: {  	[smem:$0x3FAE] =	sst s10  }
0x32: {  	s10 =	sld [smem:$0x3FAC];
	_ =	sdelay $0x3  }
0x33: {  	p0 =	seq.s32 s10, $0x1;
	s10 =	sld [smem:$0x3FAE];
	_ =	sdelay $0x3  }
0x34: {  	[smem:$0x3FAE] =	sst s10  }
0x35: {  	s10 =	sld [smem:$0x3FAD];
	_ =	sdelay $0x3  }
0x36: {  	p1 =	seq.s32 s10, $0x1;
	s10 =	sld [smem:$0x3FAE];
	_ =	sdelay $0x3  }
0x37: {  	[smem:$0x3FAE] =	sst s10  }
0x38: {  	s10 =	sld [smem:$0x3FAF]  }
0x39: {  	_ = 	snop;
	(pc) =	sbr.ind lr, $3  }
0x3a: {  	_ = 	snop  }
0x3b: {  	_ = 	snop  }
0x3c: {  	p2 =	seq.s32 s10, $0x1;
	s10 =	sld [smem:$0x3FAE]  }
0x3d: {  	_ =	shalt  }
0x3e: {  	_ =	shalt  }
0x3f: {  	_ =	shalt  }
0x40: {  	_ =	shalt  }
0x41: {  	_ =	shalt  }
0x42: {  	_ =	shalt  }
0x43: {  	_ =	shalt  }
0x44: {  	_ =	shalt  }
0x45: {  	_ =	shalt  }
0x46: {  	_ =	shalt  }
0x47: {  	_ =	shalt  }
0x48: {  	_ =	shalt  }
0x49: {  	_ =	shalt  }
0x4a: {  	_ =	shalt  }
0x4b: {  	_ =	shalt  }
0x4c: {  	_ =	shalt  }
0x4d: {  	_ =	shalt  }
0x4e: {  	_ =	shalt  }
0x4f: {  	_ =	shalt  }
0x50: {  	_ =	shalt  }
0x51: {  	_ =	shalt  }
0x52: {  	_ =	shalt  }
0x53: {  	_ =	shalt  }
0x54: {  	_ =	shalt  }
0x55: {  	_ =	shalt  }
0x56: {  	_ =	shalt  }
0x57: {  	_ =	shalt  }
0x58: {  	_ =	shalt  }
0x59: {  	_ =	shalt  }
0x5a: {  	_ =	shalt  }
0x5b: {  	_ =	shalt  }
0x5c: {  	_ =	shalt  }
0x5d: {  	_ =	shalt  }
0x5e: {  	_ =	shalt  }
0x5f: {  	_ =	shalt  }
0x60: {  	_ =	shalt  }
0x61: {  	_ =	shalt  }
0x62: {  	_ =	shalt  }
0x63: {  	_ =	shalt  }
0x64: {  	_ =	shalt  }
0x65: {  	_ =	shalt  }
0x66: {  	_ =	shalt  }
0x67: {  	_ =	shalt  }
0x68: {  	_ =	shalt  }
0x69: {  	_ =	shalt  }
0x6a: {  	_ =	shalt  }
0x6b: {  	_ =	shalt  }
0x6c: {  	_ =	shalt  }
0x6d: {  	_ =	shalt  }
0x6e: {  	_ =	shalt  }
0x6f: {  	_ =	shalt  }
0x70: {  	_ =	shalt  }
0x71: {  	_ =	shalt  }
0x72: {  	_ =	shalt  }
0x73: {  	_ =	shalt  }
0x74: {  	_ =	shalt  }
0x75: {  	_ =	shalt  }
0x76: {  	_ =	shalt  }
0x77: {  	_ =	shalt  }
0x78: {  	_ =	shalt  }
0x79: {  	_ =	shalt  }
0x7a: {  	_ =	shalt  }
0x7b: {  	_ =	shalt  }
0x7c: {  	_ =	shalt  }
0x7d: {  	_ =	shalt  }
0x7e: {  	_ =	shalt  }
0x7f: {  	_ =	shalt  }
0x80: {  	_ =	shalt  }
0x81: {  	_ =	shalt  }
0x82: {  	_ =	shalt  }
0x83: {  	_ =	shalt  }
0x84: {  	_ =	shalt  }
0x85: {  	_ =	shalt  }
0x86: {  	_ =	shalt  }
0x87: {  	_ =	shalt  }
.Lfunc_end0:
.L_simem_size_0:
called_computation.1_lowered:
.L_overlay_start_0:
0x88: {  	s2 =	sld [smem:$0x3FD9]  }
0x89: {  	s3 =	sld [smem:$0x3FFE];
	_ =	sdelay $0x1  }
0x8a: {  	s1 =	srdreg.scid  }
0x8b: {  	s0 =	sand.u32 $0x1, s1  }
0x8c: {  	s16 =	sshll.u32 s0, $0xA;
	s2 =	sadd.s32 s3, s2  }
0x8d: {  	s2 =	sadd.s32 s2, s16  }
0x8e: {  	[smem:$0x3FBA] =	sst s2  }
0x8f: {  	_ = 	snop  }
0x90: {  	(tm) =	ssettm $0x1  }
0x91: {  	s17 =	sld [smem:$0x3FFB];
	_ =	sdelay $0x3  }
0x92: {  	_ =	strace s17  }
0x93: {  	s2 =	sld [smem:$0x3FFC];
	_ =	sdelay $0x3  }
0x94: {  	_ =	strace s2  }
0x95: {  	s2 =	sld [smem:$0x3FFD];
	_ =	sdelay $0x3  }
0x96: {  	_ =	strace s2  }
0x97: {  	_ =	strace $0x8FFFFFFF  }
0x98: {  	s18 =	sld [smem:$0x3FDB];
	_ =	sdelay $0x1  }
0x99: {  	s19 =	simm.s32 $_scs_section_size  }
0x9a: {  	s4 =	simm.s32 $_size__tile_overlayer_lowered;
	s5 =	simm.s32 $_tile_overlayer_lowered  }
0x9b: {  	s22 =	simm.s32 $0x1BFF;
	s21 =	sshll.u32 s5, $0x1;
	s2 =	sadd.s32 s19, s18  }
0x9c: {  	s6 =	simm.s32 $0x0;
	s20 =	sshll.u32 s4, $0x1;
	s4 =	sadd.s32 s21, s2  }
0x9d: {  	[timem:s6], [sflag:s22] =	dma.local [hbm:s4], s20  }
0x9e: {  	_ =	swait.ge [sflag:s22], s20  }
0x9f: {  	s3 =	ssub.s32 $0x0, s20;
	[sflag:s22] =	ssyncset.done $0x0  }
0xa0: {  	[sflag:s22] =	ssyncadd.s32 s3;
	_ =	sdelay $0x1  }
0xa1: {  	s23 =	simm.s32 $0x1B8B  }
0xa2: {  	_ =	swait.ge [sflag:s23], $0x1  }
0xa3: {  	[sflag:s23] =	ssyncset.done $0x0  }
0xa4: {  	s25 =	simm.s32 $0x1B8E;
	s24 =	sld [smem:$0x3FFE];
	[sflag:s23] =	ssyncadd.s32 $0xFFFFFFFF  }
0xa5: {  	s26 =	simm.s32 $execute0_lowered;
	[smem:$0x3FD2] =	sst s25  }
0xa6: {  	s4 =	sshll.u32 s26, $0x1;
	_ =	strace $0x80000046;
	[dreg:$0x1] =	wrdreg $0xFFFFFFFF  }
0xa7: {  	s28 =	simm.s32 $_size_execute0_lowered;
	s2 =	sadd.s32 s2, s4;
	[dreg:$0x0] =	wrdreg $0x0  }
0xa8: {  	s4 =	sshll.u32 s28, $0x1;
	[dreg:$0x2] =	wrdreg s2  }
0xa9: {  	[dreg:$0x3] =	wrdreg s4  }
0xaa: {  	[dreg:$0x4] =	wrdreg $0xC0  }
0xab: {  	_ =	task [dreg:s6], $0x5FFFF  }
0xac: {  	[dreg:$0x1] =	wrdreg $0xFFFFFFFF  }
0xad: {  	[dreg:$0x0] =	wrdreg $0x60  }
0xae: {  	[dreg:$0x2] =	wrdreg s24  }
0xaf: {  	[dreg:$0x3] =	wrdreg $0xA  }
0xb0: {  	_ =	task.clear_ibuf [dreg:s6], $0x4FFFF;
	_ =	strace $0x90000046  }
0xb1: {  	s29 =	simm.s32 $0xA;
	_ =	strace $0x80000048  }
0xb2: {  	_ =	swait.ge [sflag:s29], $0x1  }
0xb3: {  	[sflag:s29] =	ssyncadd.s32 $0xFFFFFFFF  }
0xb4: {  	_ =	strace $0x90000048  }
0xb5: {  	_ =	sfence  }
0xb6: {  	s30 =	sld [smem:$0x0];
	_ =	sdelay $0x2  }
0xb7: {  	s31 =	sshll.u32 s1, $0xD;
	s1 =	sshrl.u32 s1, $0x2  }
0xb8: {  	s3 =	sand.u32 $0x4000, s31;
	s1 =	sadd.s32 s1, s30  }
0xb9: {  	s0 =	sor.u32 s3, s0;
	s1 =	sshll.u32 s1, $0x11  }
0xba: {  	s0 =	sor.u32 s1, s0  }
0xbb: {  	s0 =	sadd.s32 $0x8F2B, s0  }
0xbc: {  	[sflag:s0] =	ssyncadd.remote.s32 $0x1  }
0xbd: {  	_ =	sfence.sel $0xFFFF  }
0xbe: {  	[dreg:$0x0] =	wrdreg $0xFFFFFFFF;
	(pc) =	sbr.abs _section_cstart, $3  }
0xbf: {  	[dreg:$0x1] =	wrdreg $0xFFFFFFFF  }
0xc0: {  	_ =	task.clear_ibuf [dreg:s6], $0x2FFFF;
	_ =	strace $0x9FFFFFFF  }
0xc1: {  	(tm) =	ssettm $0x7FFFFFFF  }
tec
execute0_lowered:
.L_overlay_start_1:
0x0: {  	(tag) =	ssettag $0x1  }
0x1: {  	s1 =	srdreg.scid  }
0x2: {  	s0 =	stileid.u32;
	s10 =	sand.u32 $0x1, s1  }
0x3: {  	s29 =	sshll.u32 s0, $0x5;
	s2 =	sshll.u32 s10, $0x4  }
0x4: {  	s11 =	rddreg [dreg:$0x0];
	s12 =	sor.u32 s2, s29  }
0x5: {  	s1 =	rddreg [dreg:$0x1];
	s2 =	simm.s32 $0x0;
	s3 =	sshrl.u32 s12, $0x3  }
0x6: {  	[smem:$0x7FF] =	sst s2;
	s3 =	sadd.s32 s3, s11  }
0x7: {  	_ =	strace $0x80000047;
	s4 =	sadd.s32 $0x21A00, s3;
	s3 =	simm.s32 $0x2  }
0x8: {  	[tilespmem:s2], [sflag:$0x2] =	stream.linear.gather [hbm4b:s4+s2], $0x10, $0x38;
	[tilespmem:$0x880] =	vst v63  }
0x9: {  	_ =	swait.ge [sflag:s3], $0x10  }
0xa: {  	s6 =	simm.s32 $0x8;
	[sflag:s3] =	ssyncset.done $0x0  }
0xb: {  	s7 =	simm.s32 $0x80;
	s5 =	sadd.s32 $0x1A00, s11;
	[sflag:s3] =	ssyncadd.s32 $0xFFFFFFF0  }
0xc: {  	[tilespmem:s7], [sflag:$0x1] =	stream.indirect.gather [hbm4b:s5+s6], $0x80, s2, s6, $0xb8;
	[tilespmem:$0x880] =	vst v63  }
0xd: {  	s8 =	simm.s32 $0x480;
	s9 =	simm.s32 $0x1;
	s10 =	ssub.s32 $0x2, s10  }
0xe: {  	[tilespmem:s8], [sflag:$0x1] =	stream.indirect.gather [hbm4b:s5+s6], $0x80, s6, s6, $0xb8;
	[tilespmem:$0x880] =	vst v63  }
0xf: {  	s13 =	sshrl.u32 s10, $0x1;
	_ =	swait.ge [sflag:s9], $0x400  }
0x10: {  	s30 =	ssub.s32 s10, s13;
	[sflag:s9] =	ssyncset.done $0x0  }
0x11: {  	s31 =	smax.u32 s30, $0x1;
	[sflag:s9] =	ssyncadd.s32 $0xFFFFFC00  }
0x12: {  	s12 =	sshll.u32 s12, $0x4;
	p0 =	sne.s32 s31, $0x1;
	_ =	swait.ge [sflag:s9], $0x400  }
.Ltmp0:
0x13: {  	s11 =	sadd.s32 s12, s11;
	[sflag:s9] =	ssyncset.done $0x0;
	(pc) =	sbr.rel @!p0 .LBB2_2-.Ltmp0, $4  }
0x14: {  	s10 =	sadd.s32 $0x21C00, s11;
	[sflag:s9] =	ssyncadd.s32 $0xFFFFFC00  }
0x15: {  	[hbm4b:s10+s2] =	stream.linear.scatter [tilespmem:s7], [sflag:$0x2], $0x800, $0x38;
	[tilespmem:$0x880] =	vst v63  }
0x16: {  	_ =	swait.ge [sflag:s3], $0x800  }
0x17: {  	s11 =	sadd.s32 $0xFFFFFFFF, s31;
	[sflag:s3] =	ssyncset.done $0x0  }
.LBB2_1:
0x18: {  	p0 =	sne.s32 s11, $0x1;
	s11 =	sadd.s32 $0xFFFFFFFF, s11;
	[sflag:s3] =	ssyncadd.s32 $0xFFFFF800  }
0x19: {  	[tilespmem:s2], [sflag:$0x2] =	stream.linear.gather [hbm4b:s4+s2], $0x10, $0x38;
	[tilespmem:$0x880] =	vst v63  }
0x1a: {  	_ =	swait.ge [sflag:s3], $0x10  }
0x1b: {  	[sflag:s3] =	ssyncset.done $0x0  }
0x1c: {  	[sflag:s3] =	ssyncadd.s32 $0xFFFFFFF0  }
0x1d: {  	[tilespmem:s7], [sflag:$0x1] =	stream.indirect.gather [hbm4b:s5+s6], $0x80, s2, s6, $0xb8;
	[tilespmem:$0x880] =	vst v63  }
0x1e: {  	_ = 	snop  }
0x1f: {  	[tilespmem:s8], [sflag:$0x1] =	stream.indirect.gather [hbm4b:s5+s6], $0x80, s6, s6, $0xb8;
	[tilespmem:$0x880] =	vst v63  }
0x20: {  	_ =	swait.ge [sflag:s9], $0x400  }
0x21: {  	[sflag:s9] =	ssyncset.done $0x0  }
0x22: {  	[sflag:s9] =	ssyncadd.s32 $0xFFFFFC00  }
0x23: {  	_ =	swait.ge [sflag:s9], $0x400  }
.Ltmp1:
0x24: {  	[sflag:s9] =	ssyncset.done $0x0;
	(pc) =	sbr.rel @p0 .LBB2_1-.Ltmp1, $4  }
0x25: {  	[sflag:s9] =	ssyncadd.s32 $0xFFFFFC00  }
0x26: {  	[hbm4b:s10+s2] =	stream.linear.scatter [tilespmem:s7], [sflag:$0x2], $0x800, $0x38;
	[tilespmem:$0x880] =	vst v63  }
0x27: {  	_ =	swait.ge [sflag:s3], $0x800  }
0x28: {  	[sflag:s3] =	ssyncset.done $0x0  }
.LBB2_2:
0x29: {  	[sflag:s3] =	ssyncadd.s32 $0xFFFFF800  }
0x2a: {  	_ =	sfence.sel $0x180000  }
0x2b: {  	[bflag:$0x0] =	sbarrier.arrive $0xFFFF  }
0x2c: {  	p0 =	sne.s32 s0, $0x0;
	_ =	strace $0x90000047  }
0x2d: {  	s0 =	sadd.s32 @!p0 $0x100000, s1;
	[bflag:$0x2] =	sbarrier.arrive $0xFFFF  }
0x2e: {  	[sflag:s0] =	ssyncadd.tile.s32 @!p0 $0x1;
	_ =	shalt  }
.Lfunc_end2:
_tile_overlayer_lowered:
.L_overlay_start_2:
0x2f: {  	(tag) =	ssettag $0x2  }
0x30: {  	s0 =	rddreg [dreg:$0x0];
	s2 =	stileid.u32  }
0x31: {  	s1 =	rddreg [dreg:$0x1];
	p0 =	sne.s32 s2, $0x0  }
0x32: {  	s3 =	rddreg [dreg:$0x2];
	[bflag:$0x3] =	sbarrier.arrive $0xFFFF;
	s2 =	simm.s32 @!p0 $0x1C02  }
0x33: {  	[timem:s3], [sflag:s2] =	dma.local @!p0 [hbm:s0], s1  }
0x34: {  	s0 =	simm.s32 @!p0 $0x2  }
0x35: {  	_ =	swait.ge @!p0 [sflag:s0], s1  }
0x36: {  	s1 =	ssub.s32 @!p0 $0x0, s1;
	[sflag:s0] =	ssyncset.done @!p0 $0x0  }
0x37: {  	[sflag:s0] =	ssyncadd.s32 @!p0 s1  }
0x38: {  	[bflag:$0x3] =	sbarrier.arrive $0xFFFF  }
0x39: {  	_ =	shalt  }

// kernel: kernel.9.cloned.1.call-start
scs
__scs_entry_jumppad:
0x0: {  	(pc) =	sbr.rel $0x88, $3  }
0x1: {  	(tag) =	ssettag $0x0;
	lr =	simm.s32 $0x1  }
0x2: {  	[smem:$0x3F93] =	sst lr;
	_ =	strace $0xD0000000  }
0x3: {  	_ = 	snop  }
0x4: {  	_ = 	snop  }
0x5: {  	_ = 	snop  }
0x6: {  	_ = 	snop  }
0x7: {  	_ = 	snop  }
__scs_overlays_trampoline_lowered:
0x8: {  	[smem:$0x3FA2] =	sst s0  }
0x9: {  	[smem:$0x3FA3] =	sst s1  }
0xa: {  	[smem:$0x3FA4] =	sst s2  }
0xb: {  	[smem:$0x3FA5] =	sst s3  }
0xc: {  	[smem:$0x3FA6] =	sst s4  }
0xd: {  	[smem:$0x3FA7] =	sst s5  }
0xe: {  	[smem:$0x3FA8] =	sst s6  }
0xf: {  	[smem:$0x3FA9] =	sst s7  }
0x10: {  	[smem:$0x3FAA] =	sst s8  }
0x11: {  	[smem:$0x3FAB] =	sst s9;
	s0 =	simm.s32 @!p0 $0x0  }
0x12: {  	s1 =	sld [smem:$0x3F91];
	s0 =	simm.s32 @p0 $0x1  }
0x13: {  	[smem:$0x3FAC] =	sst s0;
	s0 =	simm.s32 @!p1 $0x0  }
0x14: {  	s2 =	sld [smem:$0x3F90];
	s0 =	simm.s32 @p1 $0x1  }
0x15: {  	[smem:$0x3FAD] =	sst s0;
	s0 =	simm.s32 @!p2 $0x0  }
0x16: {  	s3 =	sld [smem:$0x3FDB];
	s0 =	simm.s32 @p2 $0x1  }
0x17: {  	s4 =	simm.s32 $0x1BF5;
	[smem:$0x3FAF] =	sst s0  }
0x18: {  	s0 =	sld [smem:$0x3F92];
	_ =	swait.ge [sflag:s4], $0x0  }
0x19: {  	s7 =	sld [smem:$0x3F93]  }
0x1a: {  	s8 =	sadd.s32 $0xFFFFE003, lr  }
0x1b: {  	s9 =	sadd.s32 $0xFFFFFEF7, lr;
	s5 =	simm.s32 $0xFFFFFFFF;
	p2 =	slt.u32 s8, $0xFFFFF086  }
0x1c: {  	p1 =	slt.u32 s9, $0xF7A;
	s5 =	simm.s32 @!p2 $0x0  }
0x1d: {  	s5 =	simm.s32 @p1 $0x1;
	p0 =	seq.s32 s7, s2  }
0x1e: {  	s7 =	smul.u32 @!p0 $0xF7A, s2;
	p2 =	seq.s32 @!p0 s5, $0x0  }
0x1f: {  	s9 =	smul.u32 $0xF7A, s1;
	s8 =	simm.s32 @!p0 $0x1BF5;
	p2 =	por !p2, p0  }
0x20: {  	[sflag:s8] =	ssyncset.s32 @!p0 $0xFFFFF086;
	s6 =	sadd.s32 @!p0 s3, s7;
	s7 =	simm.s32 @!p0 $0x108  }
0x21: {  	s3 =	sadd.s32 s3, s9;
	s6 =	sadd.s32 @!p0 $0x88, s6;
	s7 =	simm.s32 @p2 $0x1082  }
0x22: {  	[simem:s7], [sflag:s8] =	dma.local @!p0 [hbm:s6], $0xF7A  }
0x23: {  	s9 =	sor.u32 $0xD0000000, s2;
	s6 =	simm.s32 $0x108;
	_ =	swait.ge @!p0 [sflag:s8], $0x0  }
0x24: {  	s3 =	sadd.s32 $0x88, s3;
	s6 =	simm.s32 @!p1 $0x1082;
	[sflag:s4] =	ssyncset.s32 $0xFFFFF086  }
0x25: {  	[simem:s6], [sflag:s4] =	dma.local [hbm:s3], $0xF7A  }
0x26: {  	[smem:$0x3F93] =	sst s1;
	(tag) =	ssettag s2;
	_ =	strace s9  }
0x27: {  	s1 =	sld [smem:$0x3FA3]  }
0x28: {  	s2 =	sld [smem:$0x3FA4]  }
0x29: {  	s4 =	sld [smem:$0x3FA6]  }
0x2a: {  	p0 =	seq.s32 s5, $0x0;
	s5 =	sld [smem:$0x3FA7]  }
0x2b: {  	s6 =	sld [smem:$0x3FA8]  }
0x2c: {  	s7 =	sld [smem:$0x3FA9]  }
0x2d: {  	s3 =	simm.s32 $0x108;
	s8 =	sld [smem:$0x3FAA]  }
0x2e: {  	s3 =	simm.s32 @!p0 $0x1082;
	s9 =	sld [smem:$0x3FAB]  }
0x2f: {  	lr =	sadd.s32 s0, s3;
	s0 =	sld [smem:$0x3FA2]  }
0x30: {  	s3 =	sld [smem:$0x3FA5]  }
0x31: {  	[smem:$0x3FAE] =	sst s10  }
0x32: {  	s10 =	sld [smem:$0x3FAC];
	_ =	sdelay $0x3  }
0x33: {  	p0 =	seq.s32 s10, $0x1;
	s10 =	sld [smem:$0x3FAE];
	_ =	sdelay $0x3  }
0x34: {  	[smem:$0x3FAE] =	sst s10  }
0x35: {  	s10 =	sld [smem:$0x3FAD];
	_ =	sdelay $0x3  }
0x36: {  	p1 =	seq.s32 s10, $0x1;
	s10 =	sld [smem:$0x3FAE];
	_ =	sdelay $0x3  }
0x37: {  	[smem:$0x3FAE] =	sst s10  }
0x38: {  	s10 =	sld [smem:$0x3FAF]  }
0x39: {  	_ = 	snop;
	(pc) =	sbr.ind lr, $3  }
0x3a: {  	_ = 	snop  }
0x3b: {  	_ = 	snop  }
0x3c: {  	p2 =	seq.s32 s10, $0x1;
	s10 =	sld [smem:$0x3FAE]  }
0x3d: {  	_ =	shalt  }
0x3e: {  	_ =	shalt  }
0x3f: {  	_ =	shalt  }
0x40: {  	_ =	shalt  }
0x41: {  	_ =	shalt  }
0x42: {  	_ =	shalt  }
0x43: {  	_ =	shalt  }
0x44: {  	_ =	shalt  }
0x45: {  	_ =	shalt  }
0x46: {  	_ =	shalt  }
0x47: {  	_ =	shalt  }
0x48: {  	_ =	shalt  }
0x49: {  	_ =	shalt  }
0x4a: {  	_ =	shalt  }
0x4b: {  	_ =	shalt  }
0x4c: {  	_ =	shalt  }
0x4d: {  	_ =	shalt  }
0x4e: {  	_ =	shalt  }
0x4f: {  	_ =	shalt  }
0x50: {  	_ =	shalt  }
0x51: {  	_ =	shalt  }
0x52: {  	_ =	shalt  }
0x53: {  	_ =	shalt  }
0x54: {  	_ =	shalt  }
0x55: {  	_ =	shalt  }
0x56: {  	_ =	shalt  }
0x57: {  	_ =	shalt  }
0x58: {  	_ =	shalt  }
0x59: {  	_ =	shalt  }
0x5a: {  	_ =	shalt  }
0x5b: {  	_ =	shalt  }
0x5c: {  	_ =	shalt  }
0x5d: {  	_ =	shalt  }
0x5e: {  	_ =	shalt  }
0x5f: {  	_ =	shalt  }
0x60: {  	_ =	shalt  }
0x61: {  	_ =	shalt  }
0x62: {  	_ =	shalt  }
0x63: {  	_ =	shalt  }
0x64: {  	_ =	shalt  }
0x65: {  	_ =	shalt  }
0x66: {  	_ =	shalt  }
0x67: {  	_ =	shalt  }
0x68: {  	_ =	shalt  }
0x69: {  	_ =	shalt  }
0x6a: {  	_ =	shalt  }
0x6b: {  	_ =	shalt  }
0x6c: {  	_ =	shalt  }
0x6d: {  	_ =	shalt  }
0x6e: {  	_ =	shalt  }
0x6f: {  	_ =	shalt  }
0x70: {  	_ =	shalt  }
0x71: {  	_ =	shalt  }
0x72: {  	_ =	shalt  }
0x73: {  	_ =	shalt  }
0x74: {  	_ =	shalt  }
0x75: {  	_ =	shalt  }
0x76: {  	_ =	shalt  }
0x77: {  	_ =	shalt  }
0x78: {  	_ =	shalt  }
0x79: {  	_ =	shalt  }
0x7a: {  	_ =	shalt  }
0x7b: {  	_ =	shalt  }
0x7c: {  	_ =	shalt  }
0x7d: {  	_ =	shalt  }
0x7e: {  	_ =	shalt  }
0x7f: {  	_ =	shalt  }
0x80: {  	_ =	shalt  }
0x81: {  	_ =	shalt  }
0x82: {  	_ =	shalt  }
0x83: {  	_ =	shalt  }
0x84: {  	_ =	shalt  }
0x85: {  	_ =	shalt  }
0x86: {  	_ =	shalt  }
0x87: {  	_ =	shalt  }
.Lfunc_end0:
.L_simem_size_0:
called_computation_lowered:
.L_overlay_start_0:
0x88: {  	s2 =	sld [smem:$0x3FD9]  }
0x89: {  	s3 =	sld [smem:$0x3FFE];
	_ =	sdelay $0x1  }
0x8a: {  	s1 =	srdreg.scid  }
0x8b: {  	s0 =	sand.u32 $0x1, s1  }
0x8c: {  	s15 =	sshll.u32 s0, $0xA;
	s2 =	sadd.s32 s3, s2  }
0x8d: {  	s2 =	sadd.s32 s2, s15  }
0x8e: {  	[smem:$0x3FBA] =	sst s2  }
0x8f: {  	_ = 	snop  }
0x90: {  	s2 =	sld [smem:$0x3FD0];
	_ =	sdelay $0x2  }
0x91: {  	s16 =	simm.s32 $0xB;
	s4 =	simm.s32 $0x10  }
0x92: {  	[smem:s4], [sflag:s16] =	dma.local [hbm:s2], $0x1  }
0x93: {  	_ =	swait.eq [sflag:s16], $0x1  }
0x94: {  	[sflag:s16] =	ssyncset.done $0x0  }
0x95: {  	[sflag:s16] =	ssyncadd.s32 $0xFFFFFFFF  }
0x96: {  	s17 =	sld [smem:$0x10];
	(tm) =	ssettm $0x1  }
0x97: {  	s18 =	sld [smem:$0x3FFB];
	_ =	sdelay $0x3  }
0x98: {  	_ =	strace s18  }
0x99: {  	s2 =	sld [smem:$0x3FFC];
	_ =	sdelay $0x3  }
0x9a: {  	_ =	strace s2  }
0x9b: {  	s2 =	sld [smem:$0x3FFD];
	_ =	sdelay $0x3  }
0x9c: {  	_ =	strace s2  }
0x9d: {  	_ =	strace $0x8FFFFFFF  }
0x9e: {  	s19 =	sld [smem:$0x3FDB];
	_ =	sdelay $0x1  }
0x9f: {  	s20 =	simm.s32 $_scs_section_size  }
0xa0: {  	s5 =	simm.s32 $_size__tile_overlayer_lowered;
	s6 =	simm.s32 $_tile_overlayer_lowered  }
0xa1: {  	s7 =	simm.s32 $0x1BFF;
	s21 =	sshll.u32 s6, $0x1;
	s4 =	sadd.s32 s20, s19  }
0xa2: {  	s22 =	simm.s32 $0x0;
	s5 =	sshll.u32 s5, $0x1;
	s6 =	sadd.s32 s21, s4  }
0xa3: {  	[timem:s22], [sflag:s7] =	dma.local [hbm:s6], s5  }
0xa4: {  	_ =	swait.ge [sflag:s7], s5  }
0xa5: {  	s5 =	ssub.s32 $0x0, s5;
	[sflag:s7] =	ssyncset.done $0x0  }
0xa6: {  	[sflag:s7] =	ssyncadd.s32 s5;
	_ =	sdelay $0x1  }
0xa7: {  	s23 =	simm.s32 $0x1B8B  }
0xa8: {  	_ =	swait.ge [sflag:s23], $0x1  }
0xa9: {  	[sflag:s23] =	ssyncset.done $0x0  }
0xaa: {  	[sflag:s23] =	ssyncadd.s32 $0xFFFFFFFF  }
0xab: {  	s5 =	sld [smem:$0x0]  }
0xac: {  	s6 =	sand.u32 $0xFFFFFFFE, s1  }
0xad: {  	p0 =	sne.s32 s1, s6  }
0xae: {  	s6 =	sshll.u32 @p0 s6, $0xE  }
0xaf: {  	s6 =	sadd.s32 @p0 $0x11B8D, s6;
	s7 =	sshll.u32 @p0 s5, $0x11  }
0xb0: {  	s6 =	sor.u32 @p0 s7, s6  }
0xb1: {  	[sflag:s6] =	ssyncadd.remote.s32 @p0 $0x1;
	_ =	sdelay $0x1  }
0xb2: {  	s6 =	simm.s32 @p0 $0x1B8D  }
0xb3: {  	_ =	swait.eq @p0 [sflag:s6], $0x1  }
0xb4: {  	[sflag:s6] =	ssyncadd.s32 @p0 $0xFFFFFFFF  }
0xb5: {  	s7 =	sshll.u32 @!p0 s1, $0xE  }
0xb6: {  	s7 =	sor.u32 @!p0 $0x4000, s7;
	s6 =	simm.s32 @!p0 $0x1B8D  }
0xb7: {  	s5 =	sshll.u32 @!p0 s5, $0x11;
	s7 =	sadd.s32 @!p0 $0x11B8D, s7;
	_ =	swait.eq @!p0 [sflag:s6], $0x1  }
0xb8: {  	s5 =	sor.u32 @!p0 s5, s7;
	[sflag:s6] =	ssyncadd.s32 @!p0 $0xFFFFFFFF  }
0xb9: {  	s25 =	simm.s32 $0x1B8E;
	s24 =	sld [smem:$0x3FFE];
	[sflag:s5] =	ssyncadd.remote.s32 @!p0 $0x1  }
0xba: {  	s26 =	simm.s32 $execute0_lowered;
	[smem:$0x3FD2] =	sst s25  }
0xbb: {  	s6 =	sshll.u32 s26, $0x1;
	_ =	strace $0x80000049;
	[dreg:$0x1] =	wrdreg $0xFFFFFFFF  }
0xbc: {  	s28 =	simm.s32 $_size_execute0_lowered;
	s4 =	sadd.s32 s4, s6;
	[dreg:$0x0] =	wrdreg $0x0  }
0xbd: {  	s6 =	sshll.u32 s28, $0x1;
	[dreg:$0x2] =	wrdreg s4  }
0xbe: {  	[dreg:$0x3] =	wrdreg s6  }
0xbf: {  	[dreg:$0x4] =	wrdreg $0xC0  }
0xc0: {  	_ =	task [dreg:s22], $0x5FFFF  }
0xc1: {  	[dreg:$0x1] =	wrdreg $0xFFFFFFFF  }
0xc2: {  	[dreg:$0x0] =	wrdreg $0x60  }
0xc3: {  	[dreg:$0x2] =	wrdreg s24  }
0xc4: {  	[dreg:$0x3] =	wrdreg s17  }
0xc5: {  	[dreg:$0x4] =	wrdreg $0x9  }
0xc6: {  	_ =	task.clear_ibuf [dreg:s22], $0x5FFFF;
	_ =	strace $0x90000049  }
0xc7: {  	s29 =	simm.s32 $0x9;
	_ =	strace $0x8000004B  }
0xc8: {  	_ =	swait.ge [sflag:s29], $0x1  }
0xc9: {  	[sflag:s29] =	ssyncadd.s32 $0xFFFFFFFF  }
0xca: {  	_ =	strace $0x9000004B  }
0xcb: {  	_ =	sfence  }
0xcc: {  	s30 =	sld [smem:$0x0];
	_ =	sdelay $0x2  }
0xcd: {  	s31 =	sshll.u32 s1, $0xD;
	s1 =	sshrl.u32 s1, $0x2  }
0xce: {  	s4 =	sand.u32 $0x4000, s31;
	s1 =	sadd.s32 s1, s30  }
0xcf: {  	s0 =	sor.u32 s4, s0;
	s1 =	sshll.u32 s1, $0x11  }
0xd0: {  	s0 =	sor.u32 s1, s0  }
0xd1: {  	s0 =	sadd.s32 $0x8F2B, s0  }
0xd2: {  	[sflag:s0] =	ssyncadd.remote.s32 $0x1  }
0xd3: {  	_ =	sfence.sel $0xFFFF  }
0xd4: {  	[dreg:$0x0] =	wrdreg $0xFFFFFFFF;
	(pc) =	sbr.abs _section_cstart, $3  }
0xd5: {  	[dreg:$0x1] =	wrdreg $0xFFFFFFFF  }
0xd6: {  	_ =	task.clear_ibuf [dreg:s22], $0x2FFFF;
	_ =	strace $0x9FFFFFFF  }
0xd7: {  	(tm) =	ssettm $0x7FFFFFFF  }
tec
execute0_lowered:
.L_overlay_start_1:
0x0: {  	(tag) =	ssettag $0x1  }
0x1: {  	s1 =	srdreg.scid  }
0x2: {  	s0 =	stileid.u32;
	s10 =	sand.u32 $0x1, s1  }
0x3: {  	s5 =	rddreg [dreg:$0x0];
	s29 =	sshll.u32 s0, $0x5;
	s2 =	sshll.u32 s10, $0x4  }
0x4: {  	s11 =	rddreg [dreg:$0x1];
	s12 =	sor.u32 s2, s29  }
0x5: {  	s1 =	rddreg [dreg:$0x2];
	s2 =	simm.s32 $0x0;
	s3 =	sshrl.u32 s12, $0x3  }
0x6: {  	[smem:$0x7FF] =	sst s2;
	s3 =	sadd.s32 s3, s5  }
0x7: {  	_ =	strace $0x8000004A;
	s4 =	sadd.s32 $0x23C00, s3;
	s3 =	simm.s32 $0x2  }
0x8: {  	[tilespmem:s2], [sflag:$0x2] =	stream.linear.gather [hbm4b:s4+s2], $0x10, $0x38;
	[tilespmem:$0x880] =	vst v63  }
0x9: {  	_ =	swait.ge [sflag:s3], $0x10  }
0xa: {  	s6 =	simm.s32 $0x8;
	[sflag:s3] =	ssyncset.done $0x0  }
0xb: {  	s7 =	simm.s32 $0x80;
	s5 =	sadd.s32 $0x1A00, s5;
	[sflag:s3] =	ssyncadd.s32 $0xFFFFFFF0  }
0xc: {  	[tilespmem:s7], [sflag:$0x1] =	stream.indirect.gather [hbm4b:s5+s6], $0x80, s2, s6, $0xb8;
	[tilespmem:$0x880] =	vst v63  }
0xd: {  	s8 =	simm.s32 $0x480;
	s9 =	simm.s32 $0x1;
	s10 =	ssub.s32 $0x2, s10  }
0xe: {  	[tilespmem:s8], [sflag:$0x1] =	stream.indirect.gather [hbm4b:s5+s6], $0x80, s6, s6, $0xb8;
	[tilespmem:$0x880] =	vst v63  }
0xf: {  	s13 =	sshrl.u32 s10, $0x1;
	_ =	swait.ge [sflag:s9], $0x400  }
0x10: {  	s13 =	ssub.s32 s10, s13;
	[sflag:s9] =	ssyncset.done $0x0  }
0x11: {  	s31 =	smax.u32 s13, $0x1;
	[sflag:s9] =	ssyncadd.s32 $0xFFFFFC00  }
0x12: {  	p0 =	sne.s32 s31, $0x1;
	_ =	swait.ge [sflag:s9], $0x400  }
.Ltmp0:
0x13: {  	s30 =	sshll.u32 s12, $0x4;
	[sflag:s9] =	ssyncset.done $0x0;
	(pc) =	sbr.rel @!p0 .LBB2_2-.Ltmp0, $4  }
0x14: {  	s10 =	sadd.s32 s11, s30;
	[sflag:s9] =	ssyncadd.s32 $0xFFFFFC00  }
0x15: {  	[hbm4b:s10+s2] =	stream.linear.scatter [tilespmem:s7], [sflag:$0x2], $0x800, $0x38;
	[tilespmem:$0x880] =	vst v63  }
0x16: {  	_ =	swait.ge [sflag:s3], $0x800  }
0x17: {  	s11 =	sadd.s32 $0xFFFFFFFF, s31;
	[sflag:s3] =	ssyncset.done $0x0  }
.LBB2_1:
0x18: {  	p0 =	sne.s32 s11, $0x1;
	s11 =	sadd.s32 $0xFFFFFFFF, s11;
	[sflag:s3] =	ssyncadd.s32 $0xFFFFF800  }
0x19: {  	[tilespmem:s2], [sflag:$0x2] =	stream.linear.gather [hbm4b:s4+s2], $0x10, $0x38;
	[tilespmem:$0x880] =	vst v63  }
0x1a: {  	_ =	swait.ge [sflag:s3], $0x10  }
0x1b: {  	[sflag:s3] =	ssyncset.done $0x0  }
0x1c: {  	[sflag:s3] =	ssyncadd.s32 $0xFFFFFFF0  }
0x1d: {  	[tilespmem:s7], [sflag:$0x1] =	stream.indirect.gather [hbm4b:s5+s6], $0x80, s2, s6, $0xb8;
	[tilespmem:$0x880] =	vst v63  }
0x1e: {  	_ = 	snop  }
0x1f: {  	[tilespmem:s8], [sflag:$0x1] =	stream.indirect.gather [hbm4b:s5+s6], $0x80, s6, s6, $0xb8;
	[tilespmem:$0x880] =	vst v63  }
0x20: {  	_ =	swait.ge [sflag:s9], $0x400  }
0x21: {  	[sflag:s9] =	ssyncset.done $0x0  }
0x22: {  	[sflag:s9] =	ssyncadd.s32 $0xFFFFFC00  }
0x23: {  	_ =	swait.ge [sflag:s9], $0x400  }
.Ltmp1:
0x24: {  	[sflag:s9] =	ssyncset.done $0x0;
	(pc) =	sbr.rel @p0 .LBB2_1-.Ltmp1, $4  }
0x25: {  	[sflag:s9] =	ssyncadd.s32 $0xFFFFFC00  }
0x26: {  	[hbm4b:s10+s2] =	stream.linear.scatter [tilespmem:s7], [sflag:$0x2], $0x800, $0x38;
	[tilespmem:$0x880] =	vst v63  }
0x27: {  	_ =	swait.ge [sflag:s3], $0x800  }
0x28: {  	[sflag:s3] =	ssyncset.done $0x0  }
.LBB2_2:
0x29: {  	[sflag:s3] =	ssyncadd.s32 $0xFFFFF800  }
0x2a: {  	_ =	sfence.sel $0x180000  }
0x2b: {  	[bflag:$0x0] =	sbarrier.arrive $0xFFFF  }
0x2c: {  	p0 =	sne.s32 s0, $0x0;
	_ =	strace $0x9000004A  }
0x2d: {  	s0 =	sadd.s32 @!p0 $0x100000, s1;
	[bflag:$0x2] =	sbarrier.arrive $0xFFFF  }
0x2e: {  	[sflag:s0] =	ssyncadd.tile.s32 @!p0 $0x1;
	_ =	shalt  }
.Lfunc_end2:
_tile_overlayer_lowered:
.L_overlay_start_2:
0x2f: {  	(tag) =	ssettag $0x2  }
0x30: {  	s0 =	rddreg [dreg:$0x0];
	s2 =	stileid.u32  }
0x31: {  	s1 =	rddreg [dreg:$0x1];
	p0 =	sne.s32 s2, $0x0  }
0x32: {  	s3 =	rddreg [dreg:$0x2];
	[bflag:$0x3] =	sbarrier.arrive $0xFFFF;
	s2 =	simm.s32 @!p0 $0x1C02  }
0x33: {  	[timem:s3], [sflag:s2] =	dma.local @!p0 [hbm:s0], s1  }
0x34: {  	s0 =	simm.s32 @!p0 $0x2  }
0x35: {  	_ =	swait.ge @!p0 [sflag:s0], s1  }
0x36: {  	s1 =	ssub.s32 @!p0 $0x0, s1;
	[sflag:s0] =	ssyncset.done @!p0 $0x0  }
0x37: {  	[sflag:s0] =	ssyncadd.s32 @!p0 s1  }
0x38: {  	[bflag:$0x3] =	sbarrier.arrive $0xFFFF  }
0x39: {  	_ =	shalt  }

</sc_bundles>
